<compile_context>
chip_gen: v7x
topology: tpu7x:2x2x1
jax: 0.10.2.dev20260603
libtpu: 0.0.44.dev20260713+nightly
codegen_flags: <defaults>
</compile_context>

<pallas_src>
import functools
import math

import jax
import jax.numpy as jnp
from jax import lax
from jax.experimental import pallas as pl
from jax.experimental.pallas import tpu as pltpu
from jax.experimental.pallas import tpu_sc as plsc

_NC = 2
_NS = 16
_NW = _NC * _NS

_XR = 2


@functools.partial(jax.jit, static_argnums=(2,))
def _emb_lookup(table, x, scale):
    b0, s_dim = x.shape
    d = table.shape[1]
    rows_w = b0 // _NW
    n_chunks = rows_w // _XR
    n_pairs = n_chunks // 2
    ch = _XR * s_dim
    if s_dim <= 128:
        sub = ((0, s_dim),)
    else:
        h = (((s_dim + 1) // 2) + 7) // 8 * 8
        sub = ((0, h), (h, s_dim - h))

    mesh = plsc.VectorSubcoreMesh(core_axis_name="c", subcore_axis_name="s")

    @functools.partial(
        pl.kernel,
        mesh=mesh,
        out_type=jax.ShapeDtypeStruct((b0, s_dim, d), jnp.float32),
        scratch_types=[
            pltpu.VMEM((rows_w, s_dim), jnp.int32),
            pltpu.VMEM((2, ch, d), jnp.float32),
            pltpu.VMEM((_XR, s_dim, d), jnp.float32),
            pltpu.SemaphoreType.DMA,
            pltpu.SemaphoreType.DMA,
        ],
        compiler_params=pltpu.CompilerParams(
            use_tc_tiling_on_sc=False, needs_layout_passes=False),
    )
    def k(table_hbm, x_hbm, out_hbm, xs, gbuf, obuf, sem0, sem1):
        wid = lax.axis_index("s") * _NC + lax.axis_index("c")
        sems = (sem0, sem1)

        pltpu.sync_copy(x_hbm.at[pl.ds(wid * rows_w, rows_w)], xs)

        def batches(g, b):
            for r in range(_XR):
                for (c0, w) in sub:
                    yield (xs.at[g * _XR + r, pl.ds(c0, w)],
                           gbuf.at[b].at[pl.ds(r * s_dim + c0, w)])

        def fire(g, b):
            for idx_ref, dst in batches(g, b):
                pltpu.async_copy(table_hbm.at[idx_ref], dst, sems[b])

        def process(g, b):
            for idx_ref, dst in batches(g, b):
                pltpu.make_async_copy(table_hbm.at[idx_ref], dst,
                                      sems[b]).wait()

            def mul_body(s, c2):
                for r in range(_XR):
                    for l in range(d // 16):
                        obuf[r, s, pl.ds(l * 16, 16)] = (
                            gbuf[b, r * s_dim + s, pl.ds(l * 16, 16)] * scale)
                return c2

            lax.fori_loop(0, s_dim, mul_body, 0)

            pltpu.sync_copy(obuf,
                            out_hbm.at[pl.ds(wid * rows_w + g * _XR, _XR)])

        fire(0, 0)

        def pair_body(gp, carry):
            g0 = 2 * gp
            fire(g0 + 1, 1)
            process(g0, 0)

            @pl.when(gp + 1 < n_pairs)
            def _():
                fire(g0 + 2, 0)

            process(g0 + 1, 1)
            return carry

        lax.fori_loop(0, n_pairs, pair_body, 0)

    return k(table, x)


def kernel(x, table):
    d = table.shape[1]
    scale = float(math.sqrt(d))
    x = x if x.dtype == jnp.int32 else x.astype(jnp.int32)
    return _emb_lookup(table, x, scale)

# --- scband reference (transcript-rebuilt; emitter-appended) ---
"""Pipeline reference for scband-input-embeddings-49065706389851 (READ-ONLY COPY).

The authoritative reference and input builder live on the scoring server;
editing this copy changes nothing except your own understanding.
"""

import jax, jax.numpy as jnp
import numpy as np
import math

DIM_MODEL = 64
VOCAB_SIZE = 1000000

def setup_inputs(seed: int = 0) -> dict:
    key = jax.random.key(seed)
    k1, k2 = jax.random.split(key)
    x = jax.random.randint(k1, (4096, 200), 0, VOCAB_SIZE, dtype=jnp.int64 if jax.config.jax_enable_x64 else jnp.int32)
    table = jax.random.normal(k2, (VOCAB_SIZE, DIM_MODEL), dtype=jnp.float32)
    return {"x": x, "table": table}

def reference(x, table):
    # InputEmbeddings.forward: embedding(x) * sqrt(dim_model)
    emb = jnp.take(table, x, axis=0)
    return emb * math.sqrt(DIM_MODEL)

if __name__ == "__main__":
    import jax
    _d = setup_inputs()
    print(jax.jit(kernel)(*tuple(_d.values())))

</pallas_src>

<mosaic_0001>
#map = affine_map<(d0, d1) -> (0, 0)>
#map1 = affine_map<(d0, d1) -> (0, 0, 0)>
module attributes {stable_mosaic.version = 14 : i64} {
  func.func @k(%arg0: i32, %arg1: i32, %arg2: memref<1000000x64xf32, #tpu.memory_space<hbm>>, %arg3: memref<4096x200xi32, #tpu.memory_space<hbm>>, %arg4: memref<4096x200x64xf32, #tpu.memory_space<hbm>>, %arg5: memref<128x200xi32, #tpu.memory_space<vmem>>, %arg6: memref<2x400x64xf32, #tpu.memory_space<vmem>>, %arg7: memref<2x200x64xf32, #tpu.memory_space<vmem>>, %arg8: memref<!tpu.dma_semaphore, #tpu.memory_space<semaphore_mem>>, %arg9: memref<!tpu.dma_semaphore, #tpu.memory_space<semaphore_mem>>) attributes {dimension_semantics = [#tpu.dimension_semantics<core_parallel>, #tpu.dimension_semantics<subcore_parallel>], iteration_bounds = array<i64: 2, 16>, scalar_prefetch = 0 : i64, scratch_operands = 5 : i64, tpu.core_type = #tpu.core_type<sc_vector_subcore>, window_params = [{transform_indices = #map}, {transform_indices = #map}, {transform_indices = #map1}]} {
    %mul3A = arith.constant 2 : i32
    %mul3A_0 = arith.muli %arg1, %mul3A : i32
    %add3A = arith.addi %mul3A_0, %arg0 : i32
    %mul3A_1 = arith.constant 128 : i32
    %mul3A_2 = arith.muli %add3A, %mul3A_1 : i32
    "tpu.region"() ({
      %run_scoped3A = tpu.sem_alloc : memref<!tpu.dma_semaphore, #tpu.memory_space<semaphore_mem>>
      %dma_start3A_67 = arith.constant 0 : i32
      %dma_start3A_68 = tpu.memref_slice %arg3[%mul3A_2, %dma_start3A_67] : memref<4096x200xi32, #tpu.memory_space<hbm>> -> memref<128x200xi32, #tpu.memory_space<hbm>>
      %dma_start3A_69 = arith.constant 0 : i32
      %dma_start3A_70 = tpu.memref_slice %arg3[%mul3A_2, %dma_start3A_69] : memref<4096x200xi32, #tpu.memory_space<hbm>> -> memref<128x200xi32, #tpu.memory_space<hbm>>
      tpu.enqueue_dma source(%dma_start3A_70 : memref<128x200xi32, #tpu.memory_space<hbm>>) target(%arg5 : memref<128x200xi32, #tpu.memory_space<vmem>>) target_semaphore(%run_scoped3A : memref<!tpu.dma_semaphore, #tpu.memory_space<semaphore_mem>>)
      %dma_wait3A = arith.constant 0 : i32
      %dma_wait3A_71 = tpu.memref_slice %arg3[%mul3A_2, %dma_wait3A] : memref<4096x200xi32, #tpu.memory_space<hbm>> -> memref<128x200xi32, #tpu.memory_space<hbm>>
      %dma_wait3A_72 = arith.constant 0 : i32
      %dma_wait3A_73 = tpu.memref_slice %arg3[%mul3A_2, %dma_wait3A_72] : memref<4096x200xi32, #tpu.memory_space<hbm>> -> memref<128x200xi32, #tpu.memory_space<hbm>>
      tpu.wait_dma2 semaphore(%run_scoped3A : memref<!tpu.dma_semaphore, #tpu.memory_space<semaphore_mem>>) src(%dma_wait3A_73 : memref<128x200xi32, #tpu.memory_space<hbm>>) dst(%arg5 : memref<128x200xi32, #tpu.memory_space<vmem>>)
      tpu.yield
    }) : () -> ()
    %dma_start3A = arith.constant 0 : i32
    %dma_start3A_3 = arith.constant 0 : i32
    %dma_start3A_4 = arith.constant 0 : i32
    %dma_start3A_5 = arith.constant 0 : i32
    %dma_start3A_6 = tpu.memref_slice %arg6[%dma_start3A_3, %dma_start3A_4, %dma_start3A_5] : memref<2x400x64xf32, #tpu.memory_space<vmem>> -> memref<1x400x64xf32, #tpu.memory_space<vmem>>
    %dma_start3A_7 = tpu.memref_squeeze %dma_start3A_6 : memref<1x400x64xf32, #tpu.memory_space<vmem>> -> memref<400x64xf32, #tpu.memory_space<vmem>>
    %dma_start3A_8 = arith.constant 0 : i32
    %dma_start3A_9 = arith.constant 0 : i32
    %dma_start3A_10 = tpu.memref_slice %dma_start3A_7[%dma_start3A_8, %dma_start3A_9] : memref<400x64xf32, #tpu.memory_space<vmem>> -> memref<104x64xf32, #tpu.memory_space<vmem>>
    %dma_start3A_11 = arith.constant 0 : i32
    %dma_start3A_12 = tpu.memref_slice %arg5[%dma_start3A, %dma_start3A_11] : memref<128x200xi32, #tpu.memory_space<vmem>> -> memref<1x104xi32, #tpu.memory_space<vmem>>
    %dma_start3A_13 = tpu.memref_squeeze %dma_start3A_12 : memref<1x104xi32, #tpu.memory_space<vmem>> -> memref<104xi32, #tpu.memory_space<vmem>>
    %dma_start3A_14 = arith.constant 0 : i32
    %dma_start3A_15 = arith.constant 0 : i32
    %dma_start3A_16 = tpu.memref_slice %arg2[%dma_start3A_14, %dma_start3A_15] : memref<1000000x64xf32, #tpu.memory_space<hbm>> -> memref<1000000x64xf32, #tpu.memory_space<hbm>>
    tpu.enqueue_indirect_dma source(%dma_start3A_16 : memref<1000000x64xf32, #tpu.memory_space<hbm>>) target(%dma_start3A_10 : memref<104x64xf32, #tpu.memory_space<vmem>>) offsets(%dma_start3A_13 : memref<104xi32, #tpu.memory_space<vmem>>) semaphore(%arg8 : memref<!tpu.dma_semaphore, #tpu.memory_space<semaphore_mem>>)
    %dma_start3A_17 = arith.constant 0 : i32
    %dma_start3A_18 = arith.constant 0 : i32
    %dma_start3A_19 = arith.constant 0 : i32
    %dma_start3A_20 = arith.constant 0 : i32
    %dma_start3A_21 = tpu.memref_slice %arg6[%dma_start3A_18, %dma_start3A_19, %dma_start3A_20] : memref<2x400x64xf32, #tpu.memory_space<vmem>> -> memref<1x400x64xf32, #tpu.memory_space<vmem>>
    %dma_start3A_22 = tpu.memref_squeeze %dma_start3A_21 : memref<1x400x64xf32, #tpu.memory_space<vmem>> -> memref<400x64xf32, #tpu.memory_space<vmem>>
    %dma_start3A_23 = arith.constant 104 : i32
    %dma_start3A_24 = arith.constant 0 : i32
    %dma_start3A_25 = tpu.memref_slice %dma_start3A_22[%dma_start3A_23, %dma_start3A_24] : memref<400x64xf32, #tpu.memory_space<vmem>> -> memref<96x64xf32, #tpu.memory_space<vmem>>
    %dma_start3A_26 = arith.constant 104 : i32
    %dma_start3A_27 = tpu.memref_slice %arg5[%dma_start3A_17, %dma_start3A_26] : memref<128x200xi32, #tpu.memory_space<vmem>> -> memref<1x96xi32, #tpu.memory_space<vmem>>
    %dma_start3A_28 = tpu.memref_squeeze %dma_start3A_27 : memref<1x96xi32, #tpu.memory_space<vmem>> -> memref<96xi32, #tpu.memory_space<vmem>>
    %dma_start3A_29 = arith.constant 0 : i32
    %dma_start3A_30 = arith.constant 0 : i32
    %dma_start3A_31 = tpu.memref_slice %arg2[%dma_start3A_29, %dma_start3A_30] : memref<1000000x64xf32, #tpu.memory_space<hbm>> -> memref<1000000x64xf32, #tpu.memory_space<hbm>>
    tpu.enqueue_indirect_dma source(%dma_start3A_31 : memref<1000000x64xf32, #tpu.memory_space<hbm>>) target(%dma_start3A_25 : memref<96x64xf32, #tpu.memory_space<vmem>>) offsets(%dma_start3A_28 : memref<96xi32, #tpu.memory_space<vmem>>) semaphore(%arg8 : memref<!tpu.dma_semaphore, #tpu.memory_space<semaphore_mem>>)
    %dma_start3A_32 = arith.constant 1 : i32
    %dma_start3A_33 = arith.constant 0 : i32
    %dma_start3A_34 = arith.constant 0 : i32
    %dma_start3A_35 = arith.constant 0 : i32
    %dma_start3A_36 = tpu.memref_slice %arg6[%dma_start3A_33, %dma_start3A_34, %dma_start3A_35] : memref<2x400x64xf32, #tpu.memory_space<vmem>> -> memref<1x400x64xf32, #tpu.memory_space<vmem>>
    %dma_start3A_37 = tpu.memref_squeeze %dma_start3A_36 : memref<1x400x64xf32, #tpu.memory_space<vmem>> -> memref<400x64xf32, #tpu.memory_space<vmem>>
    %dma_start3A_38 = arith.constant 200 : i32
    %dma_start3A_39 = arith.constant 0 : i32
    %dma_start3A_40 = tpu.memref_slice %dma_start3A_37[%dma_start3A_38, %dma_start3A_39] : memref<400x64xf32, #tpu.memory_space<vmem>> -> memref<104x64xf32, #tpu.memory_space<vmem>>
    %dma_start3A_41 = arith.constant 0 : i32
    %dma_start3A_42 = tpu.memref_slice %arg5[%dma_start3A_32, %dma_start3A_41] : memref<128x200xi32, #tpu.memory_space<vmem>> -> memref<1x104xi32, #tpu.memory_space<vmem>>
    %dma_start3A_43 = tpu.memref_squeeze %dma_start3A_42 : memref<1x104xi32, #tpu.memory_space<vmem>> -> memref<104xi32, #tpu.memory_space<vmem>>
    %dma_start3A_44 = arith.constant 0 : i32
    %dma_start3A_45 = arith.constant 0 : i32
    %dma_start3A_46 = tpu.memref_slice %arg2[%dma_start3A_44, %dma_start3A_45] : memref<1000000x64xf32, #tpu.memory_space<hbm>> -> memref<1000000x64xf32, #tpu.memory_space<hbm>>
    tpu.enqueue_indirect_dma source(%dma_start3A_46 : memref<1000000x64xf32, #tpu.memory_space<hbm>>) target(%dma_start3A_40 : memref<104x64xf32, #tpu.memory_space<vmem>>) offsets(%dma_start3A_43 : memref<104xi32, #tpu.memory_space<vmem>>) semaphore(%arg8 : memref<!tpu.dma_semaphore, #tpu.memory_space<semaphore_mem>>)
    %dma_start3A_47 = arith.constant 1 : i32
    %dma_start3A_48 = arith.constant 0 : i32
    %dma_start3A_49 = arith.constant 0 : i32
    %dma_start3A_50 = arith.constant 0 : i32
    %dma_start3A_51 = tpu.memref_slice %arg6[%dma_start3A_48, %dma_start3A_49, %dma_start3A_50] : memref<2x400x64xf32, #tpu.memory_space<vmem>> -> memref<1x400x64xf32, #tpu.memory_space<vmem>>
    %dma_start3A_52 = tpu.memref_squeeze %dma_start3A_51 : memref<1x400x64xf32, #tpu.memory_space<vmem>> -> memref<400x64xf32, #tpu.memory_space<vmem>>
    %dma_start3A_53 = arith.constant 304 : i32
    %dma_start3A_54 = arith.constant 0 : i32
    %dma_start3A_55 = tpu.memref_slice %dma_start3A_52[%dma_start3A_53, %dma_start3A_54] : memref<400x64xf32, #tpu.memory_space<vmem>> -> memref<96x64xf32, #tpu.memory_space<vmem>>
    %dma_start3A_56 = arith.constant 104 : i32
    %dma_start3A_57 = tpu.memref_slice %arg5[%dma_start3A_47, %dma_start3A_56] : memref<128x200xi32, #tpu.memory_space<vmem>> -> memref<1x96xi32, #tpu.memory_space<vmem>>
    %dma_start3A_58 = tpu.memref_squeeze %dma_start3A_57 : memref<1x96xi32, #tpu.memory_space<vmem>> -> memref<96xi32, #tpu.memory_space<vmem>>
    %dma_start3A_59 = arith.constant 0 : i32
    %dma_start3A_60 = arith.constant 0 : i32
    %dma_start3A_61 = tpu.memref_slice %arg2[%dma_start3A_59, %dma_start3A_60] : memref<1000000x64xf32, #tpu.memory_space<hbm>> -> memref<1000000x64xf32, #tpu.memory_space<hbm>>
    tpu.enqueue_indirect_dma source(%dma_start3A_61 : memref<1000000x64xf32, #tpu.memory_space<hbm>>) target(%dma_start3A_55 : memref<96x64xf32, #tpu.memory_space<vmem>>) offsets(%dma_start3A_58 : memref<96xi32, #tpu.memory_space<vmem>>) semaphore(%arg8 : memref<!tpu.dma_semaphore, #tpu.memory_space<semaphore_mem>>)
    %scan3A = arith.constant 0 : i32
    %scan3A_62 = arith.constant 0 : i32
    %scan3A_63 = arith.constant 32 : i32
    %scan3A_64 = arith.addi %scan3A_62, %scan3A_63 : i32
    %scan3A_65 = arith.constant 1 : i32
    scf.for %scan3A_67 = %scan3A_62 to %scan3A_64 step %scan3A_65  : i32 {
      %mul3A_68 = arith.constant 2 : i32
      %mul3A_69 = arith.muli %mul3A_68, %scan3A_67 : i32
      %add3A_70 = arith.constant 1 : i32
      %add3A_71 = arith.addi %mul3A_69, %add3A_70 : i32
      %mul3A_72 = arith.constant 2 : i32
      %mul3A_73 = arith.muli %add3A_71, %mul3A_72 : i32
      %add3A_74 = arith.constant 0 : i32
      %add3A_75 = arith.addi %mul3A_73, %add3A_74 : i32
      %dma_start3A_76 = arith.constant 1 : i32
      %dma_start3A_77 = arith.constant 0 : i32
      %dma_start3A_78 = arith.constant 0 : i32
      %dma_start3A_79 = tpu.memref_slice %arg6[%dma_start3A_76, %dma_start3A_77, %dma_start3A_78] : memref<2x400x64xf32, #tpu.memory_space<vmem>> -> memref<1x400x64xf32, #tpu.memory_space<vmem>>
      %dma_start3A_80 = tpu.memref_squeeze %dma_start3A_79 : memref<1x400x64xf32, #tpu.memory_space<vmem>> -> memref<400x64xf32, #tpu.memory_space<vmem>>
      %dma_start3A_81 = arith.constant 0 : i32
      %dma_start3A_82 = arith.constant 0 : i32
      %dma_start3A_83 = tpu.memref_slice %dma_start3A_80[%dma_start3A_81, %dma_start3A_82] : memref<400x64xf32, #tpu.memory_space<vmem>> -> memref<104x64xf32, #tpu.memory_space<vmem>>
      %dma_start3A_84 = arith.constant 0 : i32
      %dma_start3A_85 = tpu.memref_slice %arg5[%add3A_75, %dma_start3A_84] : memref<128x200xi32, #tpu.memory_space<vmem>> -> memref<1x104xi32, #tpu.memory_space<vmem>>
      %dma_start3A_86 = tpu.memref_squeeze %dma_start3A_85 : memref<1x104xi32, #tpu.memory_space<vmem>> -> memref<104xi32, #tpu.memory_space<vmem>>
      %dma_start3A_87 = arith.constant 0 : i32
      %dma_start3A_88 = arith.constant 0 : i32
      %dma_start3A_89 = tpu.memref_slice %arg2[%dma_start3A_87, %dma_start3A_88] : memref<1000000x64xf32, #tpu.memory_space<hbm>> -> memref<1000000x64xf32, #tpu.memory_space<hbm>>
      tpu.enqueue_indirect_dma source(%dma_start3A_89 : memref<1000000x64xf32, #tpu.memory_space<hbm>>) target(%dma_start3A_83 : memref<104x64xf32, #tpu.memory_space<vmem>>) offsets(%dma_start3A_86 : memref<104xi32, #tpu.memory_space<vmem>>) semaphore(%arg9 : memref<!tpu.dma_semaphore, #tpu.memory_space<semaphore_mem>>)
      %mul3A_90 = arith.constant 2 : i32
      %mul3A_91 = arith.muli %add3A_71, %mul3A_90 : i32
      %add3A_92 = arith.constant 0 : i32
      %add3A_93 = arith.addi %mul3A_91, %add3A_92 : i32
      %dma_start3A_94 = arith.constant 1 : i32
      %dma_start3A_95 = arith.constant 0 : i32
      %dma_start3A_96 = arith.constant 0 : i32
      %dma_start3A_97 = tpu.memref_slice %arg6[%dma_start3A_94, %dma_start3A_95, %dma_start3A_96] : memref<2x400x64xf32, #tpu.memory_space<vmem>> -> memref<1x400x64xf32, #tpu.memory_space<vmem>>
      %dma_start3A_98 = tpu.memref_squeeze %dma_start3A_97 : memref<1x400x64xf32, #tpu.memory_space<vmem>> -> memref<400x64xf32, #tpu.memory_space<vmem>>
      %dma_start3A_99 = arith.constant 104 : i32
      %dma_start3A_100 = arith.constant 0 : i32
      %dma_start3A_101 = tpu.memref_slice %dma_start3A_98[%dma_start3A_99, %dma_start3A_100] : memref<400x64xf32, #tpu.memory_space<vmem>> -> memref<96x64xf32, #tpu.memory_space<vmem>>
      %dma_start3A_102 = arith.constant 104 : i32
      %dma_start3A_103 = tpu.memref_slice %arg5[%add3A_93, %dma_start3A_102] : memref<128x200xi32, #tpu.memory_space<vmem>> -> memref<1x96xi32, #tpu.memory_space<vmem>>
      %dma_start3A_104 = tpu.memref_squeeze %dma_start3A_103 : memref<1x96xi32, #tpu.memory_space<vmem>> -> memref<96xi32, #tpu.memory_space<vmem>>
      %dma_start3A_105 = arith.constant 0 : i32
      %dma_start3A_106 = arith.constant 0 : i32
      %dma_start3A_107 = tpu.memref_slice %arg2[%dma_start3A_105, %dma_start3A_106] : memref<1000000x64xf32, #tpu.memory_space<hbm>> -> memref<1000000x64xf32, #tpu.memory_space<hbm>>
      tpu.enqueue_indirect_dma source(%dma_start3A_107 : memref<1000000x64xf32, #tpu.memory_space<hbm>>) target(%dma_start3A_101 : memref<96x64xf32, #tpu.memory_space<vmem>>) offsets(%dma_start3A_104 : memref<96xi32, #tpu.memory_space<vmem>>) semaphore(%arg9 : memref<!tpu.dma_semaphore, #tpu.memory_space<semaphore_mem>>)
      %mul3A_108 = arith.constant 2 : i32
      %mul3A_109 = arith.muli %add3A_71, %mul3A_108 : i32
      %add3A_110 = arith.constant 1 : i32
      %add3A_111 = arith.addi %mul3A_109, %add3A_110 : i32
      %dma_start3A_112 = arith.constant 1 : i32
      %dma_start3A_113 = arith.constant 0 : i32
      %dma_start3A_114 = arith.constant 0 : i32
      %dma_start3A_115 = tpu.memref_slice %arg6[%dma_start3A_112, %dma_start3A_113, %dma_start3A_114] : memref<2x400x64xf32, #tpu.memory_space<vmem>> -> memref<1x400x64xf32, #tpu.memory_space<vmem>>
      %dma_start3A_116 = tpu.memref_squeeze %dma_start3A_115 : memref<1x400x64xf32, #tpu.memory_space<vmem>> -> memref<400x64xf32, #tpu.memory_space<vmem>>
      %dma_start3A_117 = arith.constant 200 : i32
      %dma_start3A_118 = arith.constant 0 : i32
      %dma_start3A_119 = tpu.memref_slice %dma_start3A_116[%dma_start3A_117, %dma_start3A_118] : memref<400x64xf32, #tpu.memory_space<vmem>> -> memref<104x64xf32, #tpu.memory_space<vmem>>
      %dma_start3A_120 = arith.constant 0 : i32
      %dma_start3A_121 = tpu.memref_slice %arg5[%add3A_111, %dma_start3A_120] : memref<128x200xi32, #tpu.memory_space<vmem>> -> memref<1x104xi32, #tpu.memory_space<vmem>>
      %dma_start3A_122 = tpu.memref_squeeze %dma_start3A_121 : memref<1x104xi32, #tpu.memory_space<vmem>> -> memref<104xi32, #tpu.memory_space<vmem>>
      %dma_start3A_123 = arith.constant 0 : i32
      %dma_start3A_124 = arith.constant 0 : i32
      %dma_start3A_125 = tpu.memref_slice %arg2[%dma_start3A_123, %dma_start3A_124] : memref<1000000x64xf32, #tpu.memory_space<hbm>> -> memref<1000000x64xf32, #tpu.memory_space<hbm>>
      tpu.enqueue_indirect_dma source(%dma_start3A_125 : memref<1000000x64xf32, #tpu.memory_space<hbm>>) target(%dma_start3A_119 : memref<104x64xf32, #tpu.memory_space<vmem>>) offsets(%dma_start3A_122 : memref<104xi32, #tpu.memory_space<vmem>>) semaphore(%arg9 : memref<!tpu.dma_semaphore, #tpu.memory_space<semaphore_mem>>)
      %mul3A_126 = arith.constant 2 : i32
      %mul3A_127 = arith.muli %add3A_71, %mul3A_126 : i32
      %add3A_128 = arith.constant 1 : i32
      %add3A_129 = arith.addi %mul3A_127, %add3A_128 : i32
      %dma_start3A_130 = arith.constant 1 : i32
      %dma_start3A_131 = arith.constant 0 : i32
      %dma_start3A_132 = arith.constant 0 : i32
      %dma_start3A_133 = tpu.memref_slice %arg6[%dma_start3A_130, %dma_start3A_131, %dma_start3A_132] : memref<2x400x64xf32, #tpu.memory_space<vmem>> -> memref<1x400x64xf32, #tpu.memory_space<vmem>>
      %dma_start3A_134 = tpu.memref_squeeze %dma_start3A_133 : memref<1x400x64xf32, #tpu.memory_space<vmem>> -> memref<400x64xf32, #tpu.memory_space<vmem>>
      %dma_start3A_135 = arith.constant 304 : i32
      %dma_start3A_136 = arith.constant 0 : i32
      %dma_start3A_137 = tpu.memref_slice %dma_start3A_134[%dma_start3A_135, %dma_start3A_136] : memref<400x64xf32, #tpu.memory_space<vmem>> -> memref<96x64xf32, #tpu.memory_space<vmem>>
      %dma_start3A_138 = arith.constant 104 : i32
      %dma_start3A_139 = tpu.memref_slice %arg5[%add3A_129, %dma_start3A_138] : memref<128x200xi32, #tpu.memory_space<vmem>> -> memref<1x96xi32, #tpu.memory_space<vmem>>
      %dma_start3A_140 = tpu.memref_squeeze %dma_start3A_139 : memref<1x96xi32, #tpu.memory_space<vmem>> -> memref<96xi32, #tpu.memory_space<vmem>>
      %dma_start3A_141 = arith.constant 0 : i32
      %dma_start3A_142 = arith.constant 0 : i32
      %dma_start3A_143 = tpu.memref_slice %arg2[%dma_start3A_141, %dma_start3A_142] : memref<1000000x64xf32, #tpu.memory_space<hbm>> -> memref<1000000x64xf32, #tpu.memory_space<hbm>>
      tpu.enqueue_indirect_dma source(%dma_start3A_143 : memref<1000000x64xf32, #tpu.memory_space<hbm>>) target(%dma_start3A_137 : memref<96x64xf32, #tpu.memory_space<vmem>>) offsets(%dma_start3A_140 : memref<96xi32, #tpu.memory_space<vmem>>) semaphore(%arg9 : memref<!tpu.dma_semaphore, #tpu.memory_space<semaphore_mem>>)
      %mul3A_144 = arith.constant 2 : i32
      %mul3A_145 = arith.muli %mul3A_69, %mul3A_144 : i32
      %add3A_146 = arith.constant 0 : i32
      %add3A_147 = arith.addi %mul3A_145, %add3A_146 : i32
      %dma_wait3A = arith.constant 0 : i32
      %dma_wait3A_148 = arith.constant 0 : i32
      %dma_wait3A_149 = arith.constant 0 : i32
      %dma_wait3A_150 = tpu.memref_slice %arg6[%dma_wait3A, %dma_wait3A_148, %dma_wait3A_149] : memref<2x400x64xf32, #tpu.memory_space<vmem>> -> memref<1x400x64xf32, #tpu.memory_space<vmem>>
      %dma_wait3A_151 = tpu.memref_squeeze %dma_wait3A_150 : memref<1x400x64xf32, #tpu.memory_space<vmem>> -> memref<400x64xf32, #tpu.memory_space<vmem>>
      %dma_wait3A_152 = arith.constant 0 : i32
      %dma_wait3A_153 = arith.constant 0 : i32
      %dma_wait3A_154 = tpu.memref_slice %dma_wait3A_151[%dma_wait3A_152, %dma_wait3A_153] : memref<400x64xf32, #tpu.memory_space<vmem>> -> memref<104x64xf32, #tpu.memory_space<vmem>>
      %dma_wait3A_155 = arith.constant 0 : i32
      %dma_wait3A_156 = tpu.memref_slice %arg5[%add3A_147, %dma_wait3A_155] : memref<128x200xi32, #tpu.memory_space<vmem>> -> memref<1x104xi32, #tpu.memory_space<vmem>>
      %dma_wait3A_157 = tpu.memref_squeeze %dma_wait3A_156 : memref<1x104xi32, #tpu.memory_space<vmem>> -> memref<104xi32, #tpu.memory_space<vmem>>
      %dma_wait3A_158 = arith.constant 0 : i32
      %dma_wait3A_159 = arith.constant 0 : i32
      %dma_wait3A_160 = tpu.memref_slice %arg2[%dma_wait3A_158, %dma_wait3A_159] : memref<1000000x64xf32, #tpu.memory_space<hbm>> -> memref<1000000x64xf32, #tpu.memory_space<hbm>>
      tpu.wait_indirect_dma semaphore(%arg8 : memref<!tpu.dma_semaphore, #tpu.memory_space<semaphore_mem>>) src(%dma_wait3A_160 : memref<1000000x64xf32, #tpu.memory_space<hbm>>) dst(%dma_wait3A_154 : memref<104x64xf32, #tpu.memory_space<vmem>>)
      %mul3A_161 = arith.constant 2 : i32
      %mul3A_162 = arith.muli %mul3A_69, %mul3A_161 : i32
      %add3A_163 = arith.constant 0 : i32
      %add3A_164 = arith.addi %mul3A_162, %add3A_163 : i32
      %dma_wait3A_165 = arith.constant 0 : i32
      %dma_wait3A_166 = arith.constant 0 : i32
      %dma_wait3A_167 = arith.constant 0 : i32
      %dma_wait3A_168 = tpu.memref_slice %arg6[%dma_wait3A_165, %dma_wait3A_166, %dma_wait3A_167] : memref<2x400x64xf32, #tpu.memory_space<vmem>> -> memref<1x400x64xf32, #tpu.memory_space<vmem>>
      %dma_wait3A_169 = tpu.memref_squeeze %dma_wait3A_168 : memref<1x400x64xf32, #tpu.memory_space<vmem>> -> memref<400x64xf32, #tpu.memory_space<vmem>>
      %dma_wait3A_170 = arith.constant 104 : i32
      %dma_wait3A_171 = arith.constant 0 : i32
      %dma_wait3A_172 = tpu.memref_slice %dma_wait3A_169[%dma_wait3A_170, %dma_wait3A_171] : memref<400x64xf32, #tpu.memory_space<vmem>> -> memref<96x64xf32, #tpu.memory_space<vmem>>
      %dma_wait3A_173 = arith.constant 104 : i32
      %dma_wait3A_174 = tpu.memref_slice %arg5[%add3A_164, %dma_wait3A_173] : memref<128x200xi32, #tpu.memory_space<vmem>> -> memref<1x96xi32, #tpu.memory_space<vmem>>
      %dma_wait3A_175 = tpu.memref_squeeze %dma_wait3A_174 : memref<1x96xi32, #tpu.memory_space<vmem>> -> memref<96xi32, #tpu.memory_space<vmem>>
      %dma_wait3A_176 = arith.constant 0 : i32
      %dma_wait3A_177 = arith.constant 0 : i32
      %dma_wait3A_178 = tpu.memref_slice %arg2[%dma_wait3A_176, %dma_wait3A_177] : memref<1000000x64xf32, #tpu.memory_space<hbm>> -> memref<1000000x64xf32, #tpu.memory_space<hbm>>
      tpu.wait_indirect_dma semaphore(%arg8 : memref<!tpu.dma_semaphore, #tpu.memory_space<semaphore_mem>>) src(%dma_wait3A_178 : memref<1000000x64xf32, #tpu.memory_space<hbm>>) dst(%dma_wait3A_172 : memref<96x64xf32, #tpu.memory_space<vmem>>)
      %mul3A_179 = arith.constant 2 : i32
      %mul3A_180 = arith.muli %mul3A_69, %mul3A_179 : i32
      %add3A_181 = arith.constant 1 : i32
      %add3A_182 = arith.addi %mul3A_180, %add3A_181 : i32
      %dma_wait3A_183 = arith.constant 0 : i32
      %dma_wait3A_184 = arith.constant 0 : i32
      %dma_wait3A_185 = arith.constant 0 : i32
      %dma_wait3A_186 = tpu.memref_slice %arg6[%dma_wait3A_183, %dma_wait3A_184, %dma_wait3A_185] : memref<2x400x64xf32, #tpu.memory_space<vmem>> -> memref<1x400x64xf32, #tpu.memory_space<vmem>>
      %dma_wait3A_187 = tpu.memref_squeeze %dma_wait3A_186 : memref<1x400x64xf32, #tpu.memory_space<vmem>> -> memref<400x64xf32, #tpu.memory_space<vmem>>
      %dma_wait3A_188 = arith.constant 200 : i32
      %dma_wait3A_189 = arith.constant 0 : i32
      %dma_wait3A_190 = tpu.memref_slice %dma_wait3A_187[%dma_wait3A_188, %dma_wait3A_189] : memref<400x64xf32, #tpu.memory_space<vmem>> -> memref<104x64xf32, #tpu.memory_space<vmem>>
      %dma_wait3A_191 = arith.constant 0 : i32
      %dma_wait3A_192 = tpu.memref_slice %arg5[%add3A_182, %dma_wait3A_191] : memref<128x200xi32, #tpu.memory_space<vmem>> -> memref<1x104xi32, #tpu.memory_space<vmem>>
      %dma_wait3A_193 = tpu.memref_squeeze %dma_wait3A_192 : memref<1x104xi32, #tpu.memory_space<vmem>> -> memref<104xi32, #tpu.memory_space<vmem>>
      %dma_wait3A_194 = arith.constant 0 : i32
      %dma_wait3A_195 = arith.constant 0 : i32
      %dma_wait3A_196 = tpu.memref_slice %arg2[%dma_wait3A_194, %dma_wait3A_195] : memref<1000000x64xf32, #tpu.memory_space<hbm>> -> memref<1000000x64xf32, #tpu.memory_space<hbm>>
      tpu.wait_indirect_dma semaphore(%arg8 : memref<!tpu.dma_semaphore, #tpu.memory_space<semaphore_mem>>) src(%dma_wait3A_196 : memref<1000000x64xf32, #tpu.memory_space<hbm>>) dst(%dma_wait3A_190 : memref<104x64xf32, #tpu.memory_space<vmem>>)
      %mul3A_197 = arith.constant 2 : i32
      %mul3A_198 = arith.muli %mul3A_69, %mul3A_197 : i32
      %add3A_199 = arith.constant 1 : i32
      %add3A_200 = arith.addi %mul3A_198, %add3A_199 : i32
      %dma_wait3A_201 = arith.constant 0 : i32
      %dma_wait3A_202 = arith.constant 0 : i32
      %dma_wait3A_203 = arith.constant 0 : i32
      %dma_wait3A_204 = tpu.memref_slice %arg6[%dma_wait3A_201, %dma_wait3A_202, %dma_wait3A_203] : memref<2x400x64xf32, #tpu.memory_space<vmem>> -> memref<1x400x64xf32, #tpu.memory_space<vmem>>
      %dma_wait3A_205 = tpu.memref_squeeze %dma_wait3A_204 : memref<1x400x64xf32, #tpu.memory_space<vmem>> -> memref<400x64xf32, #tpu.memory_space<vmem>>
      %dma_wait3A_206 = arith.constant 304 : i32
      %dma_wait3A_207 = arith.constant 0 : i32
      %dma_wait3A_208 = tpu.memref_slice %dma_wait3A_205[%dma_wait3A_206, %dma_wait3A_207] : memref<400x64xf32, #tpu.memory_space<vmem>> -> memref<96x64xf32, #tpu.memory_space<vmem>>
      %dma_wait3A_209 = arith.constant 104 : i32
      %dma_wait3A_210 = tpu.memref_slice %arg5[%add3A_200, %dma_wait3A_209] : memref<128x200xi32, #tpu.memory_space<vmem>> -> memref<1x96xi32, #tpu.memory_space<vmem>>
      %dma_wait3A_211 = tpu.memref_squeeze %dma_wait3A_210 : memref<1x96xi32, #tpu.memory_space<vmem>> -> memref<96xi32, #tpu.memory_space<vmem>>
      %dma_wait3A_212 = arith.constant 0 : i32
      %dma_wait3A_213 = arith.constant 0 : i32
      %dma_wait3A_214 = tpu.memref_slice %arg2[%dma_wait3A_212, %dma_wait3A_213] : memref<1000000x64xf32, #tpu.memory_space<hbm>> -> memref<1000000x64xf32, #tpu.memory_space<hbm>>
      tpu.wait_indirect_dma semaphore(%arg8 : memref<!tpu.dma_semaphore, #tpu.memory_space<semaphore_mem>>) src(%dma_wait3A_214 : memref<1000000x64xf32, #tpu.memory_space<hbm>>) dst(%dma_wait3A_208 : memref<96x64xf32, #tpu.memory_space<vmem>>)
      %scan3A_215 = arith.constant 0 : i32
      %scan3A_216 = arith.constant 0 : i32
      %scan3A_217 = arith.constant 200 : i32
      %scan3A_218 = arith.addi %scan3A_216, %scan3A_217 : i32
      %scan3A_219 = arith.constant 1 : i32
      scf.for %scan3A_315 = %scan3A_216 to %scan3A_218 step %scan3A_219  : i32 {
        %add3A_316 = arith.constant 0 : i32
        %add3A_317 = arith.addi %add3A_316, %scan3A_315 : i32
        %get3A = arith.constant 0 : i32
        %get3A_318 = arith.index_cast %get3A : i32 to index
        %get3A_319 = arith.index_cast %add3A_317 : i32 to index
        %get3A_320 = arith.constant 0 : index
        %get3A_321 = tpu.vector_load %arg6[%get3A_318, %get3A_319, %get3A_320] {strides = array<i32>} : memref<2x400x64xf32, #tpu.memory_space<vmem>>, vector<16xf32>,
        %mul3A_322 = arith.constant 8.000000e+00 : f32
        %mul3A_323 = vector.broadcast %mul3A_322 : f32 to vector<16xf32>
        %mul3A_324 = arith.mulf %get3A_321, %mul3A_323 : vector<16xf32>
        %swap3A = arith.constant 0 : i32
        %swap3A_325 = arith.index_cast %swap3A : i32 to index
        %swap3A_326 = arith.index_cast %scan3A_315 : i32 to index
        %swap3A_327 = arith.constant 0 : index
        %swap3A_328 = tpu.vector_load %arg7[%swap3A_325, %swap3A_326, %swap3A_327] {strides = array<i32>} : memref<2x200x64xf32, #tpu.memory_space<vmem>>, vector<16xf32>,
        tpu.vector_store %arg7[%swap3A_325, %swap3A_326, %swap3A_327], %mul3A_324 {strides = array<i32>} : memref<2x200x64xf32, #tpu.memory_space<vmem>>, vector<16xf32>,
        %add3A_329 = arith.constant 0 : i32
        %add3A_330 = arith.addi %add3A_329, %scan3A_315 : i32
        %get3A_331 = arith.constant 0 : i32
        %get3A_332 = arith.index_cast %get3A_331 : i32 to index
        %get3A_333 = arith.index_cast %add3A_330 : i32 to index
        %get3A_334 = arith.constant 16 : index
        %get3A_335 = tpu.vector_load %arg6[%get3A_332, %get3A_333, %get3A_334] {strides = array<i32>} : memref<2x400x64xf32, #tpu.memory_space<vmem>>, vector<16xf32>,
        %mul3A_336 = arith.constant 8.000000e+00 : f32
        %mul3A_337 = vector.broadcast %mul3A_336 : f32 to vector<16xf32>
        %mul3A_338 = arith.mulf %get3A_335, %mul3A_337 : vector<16xf32>
        %swap3A_339 = arith.constant 0 : i32
        %swap3A_340 = arith.index_cast %swap3A_339 : i32 to index
        %swap3A_341 = arith.index_cast %scan3A_315 : i32 to index
        %swap3A_342 = arith.constant 16 : index
        %swap3A_343 = tpu.vector_load %arg7[%swap3A_340, %swap3A_341, %swap3A_342] {strides = array<i32>} : memref<2x200x64xf32, #tpu.memory_space<vmem>>, vector<16xf32>,
        tpu.vector_store %arg7[%swap3A_340, %swap3A_341, %swap3A_342], %mul3A_338 {strides = array<i32>} : memref<2x200x64xf32, #tpu.memory_space<vmem>>, vector<16xf32>,
        %add3A_344 = arith.constant 0 : i32
        %add3A_345 = arith.addi %add3A_344, %scan3A_315 : i32
        %get3A_346 = arith.constant 0 : i32
        %get3A_347 = arith.index_cast %get3A_346 : i32 to index
        %get3A_348 = arith.index_cast %add3A_345 : i32 to index
        %get3A_349 = arith.constant 32 : index
        %get3A_350 = tpu.vector_load %arg6[%get3A_347, %get3A_348, %get3A_349] {strides = array<i32>} : memref<2x400x64xf32, #tpu.memory_space<vmem>>, vector<16xf32>,
        %mul3A_351 = arith.constant 8.000000e+00 : f32
        %mul3A_352 = vector.broadcast %mul3A_351 : f32 to vector<16xf32>
        %mul3A_353 = arith.mulf %get3A_350, %mul3A_352 : vector<16xf32>
        %swap3A_354 = arith.constant 0 : i32
        %swap3A_355 = arith.index_cast %swap3A_354 : i32 to index
        %swap3A_356 = arith.index_cast %scan3A_315 : i32 to index
        %swap3A_357 = arith.constant 32 : index
        %swap3A_358 = tpu.vector_load %arg7[%swap3A_355, %swap3A_356, %swap3A_357] {strides = array<i32>} : memref<2x200x64xf32, #tpu.memory_space<vmem>>, vector<16xf32>,
        tpu.vector_store %arg7[%swap3A_355, %swap3A_356, %swap3A_357], %mul3A_353 {strides = array<i32>} : memref<2x200x64xf32, #tpu.memory_space<vmem>>, vector<16xf32>,
        %add3A_359 = arith.constant 0 : i32
        %add3A_360 = arith.addi %add3A_359, %scan3A_315 : i32
        %get3A_361 = arith.constant 0 : i32
        %get3A_362 = arith.index_cast %get3A_361 : i32 to index
        %get3A_363 = arith.index_cast %add3A_360 : i32 to index
        %get3A_364 = arith.constant 48 : index
        %get3A_365 = tpu.vector_load %arg6[%get3A_362, %get3A_363, %get3A_364] {strides = array<i32>} : memref<2x400x64xf32, #tpu.memory_space<vmem>>, vector<16xf32>,
        %mul3A_366 = arith.constant 8.000000e+00 : f32
        %mul3A_367 = vector.broadcast %mul3A_366 : f32 to vector<16xf32>
        %mul3A_368 = arith.mulf %get3A_365, %mul3A_367 : vector<16xf32>
        %swap3A_369 = arith.constant 0 : i32
        %swap3A_370 = arith.index_cast %swap3A_369 : i32 to index
        %swap3A_371 = arith.index_cast %scan3A_315 : i32 to index
        %swap3A_372 = arith.constant 48 : index
        %swap3A_373 = tpu.vector_load %arg7[%swap3A_370, %swap3A_371, %swap3A_372] {strides = array<i32>} : memref<2x200x64xf32, #tpu.memory_space<vmem>>, vector<16xf32>,
        tpu.vector_store %arg7[%swap3A_370, %swap3A_371, %swap3A_372], %mul3A_368 {strides = array<i32>} : memref<2x200x64xf32, #tpu.memory_space<vmem>>, vector<16xf32>,
        %add3A_374 = arith.constant 200 : i32
        %add3A_375 = arith.addi %add3A_374, %scan3A_315 : i32
        %get3A_376 = arith.constant 0 : i32
        %get3A_377 = arith.index_cast %get3A_376 : i32 to index
        %get3A_378 = arith.index_cast %add3A_375 : i32 to index
        %get3A_379 = arith.constant 0 : index
        %get3A_380 = tpu.vector_load %arg6[%get3A_377, %get3A_378, %get3A_379] {strides = array<i32>} : memref<2x400x64xf32, #tpu.memory_space<vmem>>, vector<16xf32>,
        %mul3A_381 = arith.constant 8.000000e+00 : f32
        %mul3A_382 = vector.broadcast %mul3A_381 : f32 to vector<16xf32>
        %mul3A_383 = arith.mulf %get3A_380, %mul3A_382 : vector<16xf32>
        %swap3A_384 = arith.constant 1 : i32
        %swap3A_385 = arith.index_cast %swap3A_384 : i32 to index
        %swap3A_386 = arith.index_cast %scan3A_315 : i32 to index
        %swap3A_387 = arith.constant 0 : index
        %swap3A_388 = tpu.vector_load %arg7[%swap3A_385, %swap3A_386, %swap3A_387] {strides = array<i32>} : memref<2x200x64xf32, #tpu.memory_space<vmem>>, vector<16xf32>,
        tpu.vector_store %arg7[%swap3A_385, %swap3A_386, %swap3A_387], %mul3A_383 {strides = array<i32>} : memref<2x200x64xf32, #tpu.memory_space<vmem>>, vector<16xf32>,
        %add3A_389 = arith.constant 200 : i32
        %add3A_390 = arith.addi %add3A_389, %scan3A_315 : i32
        %get3A_391 = arith.constant 0 : i32
        %get3A_392 = arith.index_cast %get3A_391 : i32 to index
        %get3A_393 = arith.index_cast %add3A_390 : i32 to index
        %get3A_394 = arith.constant 16 : index
        %get3A_395 = tpu.vector_load %arg6[%get3A_392, %get3A_393, %get3A_394] {strides = array<i32>} : memref<2x400x64xf32, #tpu.memory_space<vmem>>, vector<16xf32>,
        %mul3A_396 = arith.constant 8.000000e+00 : f32
        %mul3A_397 = vector.broadcast %mul3A_396 : f32 to vector<16xf32>
        %mul3A_398 = arith.mulf %get3A_395, %mul3A_397 : vector<16xf32>
        %swap3A_399 = arith.constant 1 : i32
        %swap3A_400 = arith.index_cast %swap3A_399 : i32 to index
        %swap3A_401 = arith.index_cast %scan3A_315 : i32 to index
        %swap3A_402 = arith.constant 16 : index
        %swap3A_403 = tpu.vector_load %arg7[%swap3A_400, %swap3A_401, %swap3A_402] {strides = array<i32>} : memref<2x200x64xf32, #tpu.memory_space<vmem>>, vector<16xf32>,
        tpu.vector_store %arg7[%swap3A_400, %swap3A_401, %swap3A_402], %mul3A_398 {strides = array<i32>} : memref<2x200x64xf32, #tpu.memory_space<vmem>>, vector<16xf32>,
        %add3A_404 = arith.constant 200 : i32
        %add3A_405 = arith.addi %add3A_404, %scan3A_315 : i32
        %get3A_406 = arith.constant 0 : i32
        %get3A_407 = arith.index_cast %get3A_406 : i32 to index
        %get3A_408 = arith.index_cast %add3A_405 : i32 to index
        %get3A_409 = arith.constant 32 : index
        %get3A_410 = tpu.vector_load %arg6[%get3A_407, %get3A_408, %get3A_409] {strides = array<i32>} : memref<2x400x64xf32, #tpu.memory_space<vmem>>, vector<16xf32>,
        %mul3A_411 = arith.constant 8.000000e+00 : f32
        %mul3A_412 = vector.broadcast %mul3A_411 : f32 to vector<16xf32>
        %mul3A_413 = arith.mulf %get3A_410, %mul3A_412 : vector<16xf32>
        %swap3A_414 = arith.constant 1 : i32
        %swap3A_415 = arith.index_cast %swap3A_414 : i32 to index
        %swap3A_416 = arith.index_cast %scan3A_315 : i32 to index
        %swap3A_417 = arith.constant 32 : index
        %swap3A_418 = tpu.vector_load %arg7[%swap3A_415, %swap3A_416, %swap3A_417] {strides = array<i32>} : memref<2x200x64xf32, #tpu.memory_space<vmem>>, vector<16xf32>,
        tpu.vector_store %arg7[%swap3A_415, %swap3A_416, %swap3A_417], %mul3A_413 {strides = array<i32>} : memref<2x200x64xf32, #tpu.memory_space<vmem>>, vector<16xf32>,
        %add3A_419 = arith.constant 200 : i32
        %add3A_420 = arith.addi %add3A_419, %scan3A_315 : i32
        %get3A_421 = arith.constant 0 : i32
        %get3A_422 = arith.index_cast %get3A_421 : i32 to index
        %get3A_423 = arith.index_cast %add3A_420 : i32 to index
        %get3A_424 = arith.constant 48 : index
        %get3A_425 = tpu.vector_load %arg6[%get3A_422, %get3A_423, %get3A_424] {strides = array<i32>} : memref<2x400x64xf32, #tpu.memory_space<vmem>>, vector<16xf32>,
        %mul3A_426 = arith.constant 8.000000e+00 : f32
        %mul3A_427 = vector.broadcast %mul3A_426 : f32 to vector<16xf32>
        %mul3A_428 = arith.mulf %get3A_425, %mul3A_427 : vector<16xf32>
        %swap3A_429 = arith.constant 1 : i32
        %swap3A_430 = arith.index_cast %swap3A_429 : i32 to index
        %swap3A_431 = arith.index_cast %scan3A_315 : i32 to index
        %swap3A_432 = arith.constant 48 : index
        %swap3A_433 = tpu.vector_load %arg7[%swap3A_430, %swap3A_431, %swap3A_432] {strides = array<i32>} : memref<2x200x64xf32, #tpu.memory_space<vmem>>, vector<16xf32>,
        tpu.vector_store %arg7[%swap3A_430, %swap3A_431, %swap3A_432], %mul3A_428 {strides = array<i32>} : memref<2x200x64xf32, #tpu.memory_space<vmem>>, vector<16xf32>,
      }
      %scan3A_220 = arith.constant 200 : i32
      %mul3A_221 = arith.constant 128 : i32
      %mul3A_222 = arith.muli %add3A, %mul3A_221 : i32
      %mul3A_223 = arith.constant 2 : i32
      %mul3A_224 = arith.muli %mul3A_69, %mul3A_223 : i32
      %add3A_225 = arith.addi %mul3A_222, %mul3A_224 : i32
      "tpu.region"() ({
        %run_scoped3A = tpu.sem_alloc : memref<!tpu.dma_semaphore, #tpu.memory_space<semaphore_mem>>
        %dma_start3A_315 = arith.constant 0 : i32
        %dma_start3A_316 = arith.constant 0 : i32
        %dma_start3A_317 = tpu.memref_slice %arg4[%add3A_225, %dma_start3A_315, %dma_start3A_316] : memref<4096x200x64xf32, #tpu.memory_space<hbm>> -> memref<2x200x64xf32, #tpu.memory_space<hbm>>
        %dma_start3A_318 = arith.constant 0 : i32
        %dma_start3A_319 = arith.constant 0 : i32
        %dma_start3A_320 = tpu.memref_slice %arg4[%add3A_225, %dma_start3A_318, %dma_start3A_319] : memref<4096x200x64xf32, #tpu.memory_space<hbm>> -> memref<2x200x64xf32, #tpu.memory_space<hbm>>
        tpu.enqueue_dma source(%arg7 : memref<2x200x64xf32, #tpu.memory_space<vmem>>) target(%dma_start3A_320 : memref<2x200x64xf32, #tpu.memory_space<hbm>>) target_semaphore(%run_scoped3A : memref<!tpu.dma_semaphore, #tpu.memory_space<semaphore_mem>>)
        %dma_wait3A_321 = arith.constant 0 : i32
        %dma_wait3A_322 = arith.constant 0 : i32
        %dma_wait3A_323 = tpu.memref_slice %arg4[%add3A_225, %dma_wait3A_321, %dma_wait3A_322] : memref<4096x200x64xf32, #tpu.memory_space<hbm>> -> memref<2x200x64xf32, #tpu.memory_space<hbm>>
        %dma_wait3A_324 = arith.constant 0 : i32
        %dma_wait3A_325 = arith.constant 0 : i32
        %dma_wait3A_326 = tpu.memref_slice %arg4[%add3A_225, %dma_wait3A_324, %dma_wait3A_325] : memref<4096x200x64xf32, #tpu.memory_space<hbm>> -> memref<2x200x64xf32, #tpu.memory_space<hbm>>
        tpu.wait_dma2 semaphore(%run_scoped3A : memref<!tpu.dma_semaphore, #tpu.memory_space<semaphore_mem>>) src(%arg7 : memref<2x200x64xf32, #tpu.memory_space<vmem>>) dst(%dma_wait3A_326 : memref<2x200x64xf32, #tpu.memory_space<hbm>>)
        tpu.yield
      }) : () -> ()
      %add3A_226 = arith.constant 1 : i32
      %add3A_227 = arith.addi %scan3A_67, %add3A_226 : i32
      %lt3A = arith.constant 32 : i32
      %lt3A_228 = arith.cmpi slt, %add3A_227, %lt3A : i32
      %convert_element_type3A = arith.extui %lt3A_228 : i1 to i32
      %cond3A = arith.constant 0 : i32
      %cond3A_229 = arith.cmpi ne, %convert_element_type3A, %cond3A : i32
      scf.if %cond3A_229 {
        %add3A_315 = arith.constant 2 : i32
        %add3A_316 = arith.addi %mul3A_69, %add3A_315 : i32
        %mul3A_317 = arith.constant 2 : i32
        %mul3A_318 = arith.muli %add3A_316, %mul3A_317 : i32
        %add3A_319 = arith.constant 0 : i32
        %add3A_320 = arith.addi %mul3A_318, %add3A_319 : i32
        %dma_start3A_321 = arith.constant 0 : i32
        %dma_start3A_322 = arith.constant 0 : i32
        %dma_start3A_323 = arith.constant 0 : i32
        %dma_start3A_324 = tpu.memref_slice %arg6[%dma_start3A_321, %dma_start3A_322, %dma_start3A_323] : memref<2x400x64xf32, #tpu.memory_space<vmem>> -> memref<1x400x64xf32, #tpu.memory_space<vmem>>
        %dma_start3A_325 = tpu.memref_squeeze %dma_start3A_324 : memref<1x400x64xf32, #tpu.memory_space<vmem>> -> memref<400x64xf32, #tpu.memory_space<vmem>>
        %dma_start3A_326 = arith.constant 0 : i32
        %dma_start3A_327 = arith.constant 0 : i32
        %dma_start3A_328 = tpu.memref_slice %dma_start3A_325[%dma_start3A_326, %dma_start3A_327] : memref<400x64xf32, #tpu.memory_space<vmem>> -> memref<104x64xf32, #tpu.memory_space<vmem>>
        %dma_start3A_329 = arith.constant 0 : i32
        %dma_start3A_330 = tpu.memref_slice %arg5[%add3A_320, %dma_start3A_329] : memref<128x200xi32, #tpu.memory_space<vmem>> -> memref<1x104xi32, #tpu.memory_space<vmem>>
        %dma_start3A_331 = tpu.memref_squeeze %dma_start3A_330 : memref<1x104xi32, #tpu.memory_space<vmem>> -> memref<104xi32, #tpu.memory_space<vmem>>
        %dma_start3A_332 = arith.constant 0 : i32
        %dma_start3A_333 = arith.constant 0 : i32
        %dma_start3A_334 = tpu.memref_slice %arg2[%dma_start3A_332, %dma_start3A_333] : memref<1000000x64xf32, #tpu.memory_space<hbm>> -> memref<1000000x64xf32, #tpu.memory_space<hbm>>
        tpu.enqueue_indirect_dma source(%dma_start3A_334 : memref<1000000x64xf32, #tpu.memory_space<hbm>>) target(%dma_start3A_328 : memref<104x64xf32, #tpu.memory_space<vmem>>) offsets(%dma_start3A_331 : memref<104xi32, #tpu.memory_space<vmem>>) semaphore(%arg8 : memref<!tpu.dma_semaphore, #tpu.memory_space<semaphore_mem>>)
        %mul3A_335 = arith.constant 2 : i32
        %mul3A_336 = arith.muli %add3A_316, %mul3A_335 : i32
        %add3A_337 = arith.constant 0 : i32
        %add3A_338 = arith.addi %mul3A_336, %add3A_337 : i32
        %dma_start3A_339 = arith.constant 0 : i32
        %dma_start3A_340 = arith.constant 0 : i32
        %dma_start3A_341 = arith.constant 0 : i32
        %dma_start3A_342 = tpu.memref_slice %arg6[%dma_start3A_339, %dma_start3A_340, %dma_start3A_341] : memref<2x400x64xf32, #tpu.memory_space<vmem>> -> memref<1x400x64xf32, #tpu.memory_space<vmem>>
        %dma_start3A_343 = tpu.memref_squeeze %dma_start3A_342 : memref<1x400x64xf32, #tpu.memory_space<vmem>> -> memref<400x64xf32, #tpu.memory_space<vmem>>
        %dma_start3A_344 = arith.constant 104 : i32
        %dma_start3A_345 = arith.constant 0 : i32
        %dma_start3A_346 = tpu.memref_slice %dma_start3A_343[%dma_start3A_344, %dma_start3A_345] : memref<400x64xf32, #tpu.memory_space<vmem>> -> memref<96x64xf32, #tpu.memory_space<vmem>>
        %dma_start3A_347 = arith.constant 104 : i32
        %dma_start3A_348 = tpu.memref_slice %arg5[%add3A_338, %dma_start3A_347] : memref<128x200xi32, #tpu.memory_space<vmem>> -> memref<1x96xi32, #tpu.memory_space<vmem>>
        %dma_start3A_349 = tpu.memref_squeeze %dma_start3A_348 : memref<1x96xi32, #tpu.memory_space<vmem>> -> memref<96xi32, #tpu.memory_space<vmem>>
        %dma_start3A_350 = arith.constant 0 : i32
        %dma_start3A_351 = arith.constant 0 : i32
        %dma_start3A_352 = tpu.memref_slice %arg2[%dma_start3A_350, %dma_start3A_351] : memref<1000000x64xf32, #tpu.memory_space<hbm>> -> memref<1000000x64xf32, #tpu.memory_space<hbm>>
        tpu.enqueue_indirect_dma source(%dma_start3A_352 : memref<1000000x64xf32, #tpu.memory_space<hbm>>) target(%dma_start3A_346 : memref<96x64xf32, #tpu.memory_space<vmem>>) offsets(%dma_start3A_349 : memref<96xi32, #tpu.memory_space<vmem>>) semaphore(%arg8 : memref<!tpu.dma_semaphore, #tpu.memory_space<semaphore_mem>>)
        %mul3A_353 = arith.constant 2 : i32
        %mul3A_354 = arith.muli %add3A_316, %mul3A_353 : i32
        %add3A_355 = arith.constant 1 : i32
        %add3A_356 = arith.addi %mul3A_354, %add3A_355 : i32
        %dma_start3A_357 = arith.constant 0 : i32
        %dma_start3A_358 = arith.constant 0 : i32
        %dma_start3A_359 = arith.constant 0 : i32
        %dma_start3A_360 = tpu.memref_slice %arg6[%dma_start3A_357, %dma_start3A_358, %dma_start3A_359] : memref<2x400x64xf32, #tpu.memory_space<vmem>> -> memref<1x400x64xf32, #tpu.memory_space<vmem>>
        %dma_start3A_361 = tpu.memref_squeeze %dma_start3A_360 : memref<1x400x64xf32, #tpu.memory_space<vmem>> -> memref<400x64xf32, #tpu.memory_space<vmem>>
        %dma_start3A_362 = arith.constant 200 : i32
        %dma_start3A_363 = arith.constant 0 : i32
        %dma_start3A_364 = tpu.memref_slice %dma_start3A_361[%dma_start3A_362, %dma_start3A_363] : memref<400x64xf32, #tpu.memory_space<vmem>> -> memref<104x64xf32, #tpu.memory_space<vmem>>
        %dma_start3A_365 = arith.constant 0 : i32
        %dma_start3A_366 = tpu.memref_slice %arg5[%add3A_356, %dma_start3A_365] : memref<128x200xi32, #tpu.memory_space<vmem>> -> memref<1x104xi32, #tpu.memory_space<vmem>>
        %dma_start3A_367 = tpu.memref_squeeze %dma_start3A_366 : memref<1x104xi32, #tpu.memory_space<vmem>> -> memref<104xi32, #tpu.memory_space<vmem>>
        %dma_start3A_368 = arith.constant 0 : i32
        %dma_start3A_369 = arith.constant 0 : i32
        %dma_start3A_370 = tpu.memref_slice %arg2[%dma_start3A_368, %dma_start3A_369] : memref<1000000x64xf32, #tpu.memory_space<hbm>> -> memref<1000000x64xf32, #tpu.memory_space<hbm>>
        tpu.enqueue_indirect_dma source(%dma_start3A_370 : memref<1000000x64xf32, #tpu.memory_space<hbm>>) target(%dma_start3A_364 : memref<104x64xf32, #tpu.memory_space<vmem>>) offsets(%dma_start3A_367 : memref<104xi32, #tpu.memory_space<vmem>>) semaphore(%arg8 : memref<!tpu.dma_semaphore, #tpu.memory_space<semaphore_mem>>)
        %mul3A_371 = arith.constant 2 : i32
        %mul3A_372 = arith.muli %add3A_316, %mul3A_371 : i32
        %add3A_373 = arith.constant 1 : i32
        %add3A_374 = arith.addi %mul3A_372, %add3A_373 : i32
        %dma_start3A_375 = arith.constant 0 : i32
        %dma_start3A_376 = arith.constant 0 : i32
        %dma_start3A_377 = arith.constant 0 : i32
        %dma_start3A_378 = tpu.memref_slice %arg6[%dma_start3A_375, %dma_start3A_376, %dma_start3A_377] : memref<2x400x64xf32, #tpu.memory_space<vmem>> -> memref<1x400x64xf32, #tpu.memory_space<vmem>>
        %dma_start3A_379 = tpu.memref_squeeze %dma_start3A_378 : memref<1x400x64xf32, #tpu.memory_space<vmem>> -> memref<400x64xf32, #tpu.memory_space<vmem>>
        %dma_start3A_380 = arith.constant 304 : i32
        %dma_start3A_381 = arith.constant 0 : i32
        %dma_start3A_382 = tpu.memref_slice %dma_start3A_379[%dma_start3A_380, %dma_start3A_381] : memref<400x64xf32, #tpu.memory_space<vmem>> -> memref<96x64xf32, #tpu.memory_space<vmem>>
        %dma_start3A_383 = arith.constant 104 : i32
        %dma_start3A_384 = tpu.memref_slice %arg5[%add3A_374, %dma_start3A_383] : memref<128x200xi32, #tpu.memory_space<vmem>> -> memref<1x96xi32, #tpu.memory_space<vmem>>
        %dma_start3A_385 = tpu.memref_squeeze %dma_start3A_384 : memref<1x96xi32, #tpu.memory_space<vmem>> -> memref<96xi32, #tpu.memory_space<vmem>>
        %dma_start3A_386 = arith.constant 0 : i32
        %dma_start3A_387 = arith.constant 0 : i32
        %dma_start3A_388 = tpu.memref_slice %arg2[%dma_start3A_386, %dma_start3A_387] : memref<1000000x64xf32, #tpu.memory_space<hbm>> -> memref<1000000x64xf32, #tpu.memory_space<hbm>>
        tpu.enqueue_indirect_dma source(%dma_start3A_388 : memref<1000000x64xf32, #tpu.memory_space<hbm>>) target(%dma_start3A_382 : memref<96x64xf32, #tpu.memory_space<vmem>>) offsets(%dma_start3A_385 : memref<96xi32, #tpu.memory_space<vmem>>) semaphore(%arg8 : memref<!tpu.dma_semaphore, #tpu.memory_space<semaphore_mem>>)
      } else {
      }
      %add3A_230 = arith.constant 1 : i32
      %add3A_231 = arith.addi %mul3A_69, %add3A_230 : i32
      %mul3A_232 = arith.constant 2 : i32
      %mul3A_233 = arith.muli %add3A_231, %mul3A_232 : i32
      %add3A_234 = arith.constant 0 : i32
      %add3A_235 = arith.addi %mul3A_233, %add3A_234 : i32
      %dma_wait3A_236 = arith.constant 1 : i32
      %dma_wait3A_237 = arith.constant 0 : i32
      %dma_wait3A_238 = arith.constant 0 : i32
      %dma_wait3A_239 = tpu.memref_slice %arg6[%dma_wait3A_236, %dma_wait3A_237, %dma_wait3A_238] : memref<2x400x64xf32, #tpu.memory_space<vmem>> -> memref<1x400x64xf32, #tpu.memory_space<vmem>>
      %dma_wait3A_240 = tpu.memref_squeeze %dma_wait3A_239 : memref<1x400x64xf32, #tpu.memory_space<vmem>> -> memref<400x64xf32, #tpu.memory_space<vmem>>
      %dma_wait3A_241 = arith.constant 0 : i32
      %dma_wait3A_242 = arith.constant 0 : i32
      %dma_wait3A_243 = tpu.memref_slice %dma_wait3A_240[%dma_wait3A_241, %dma_wait3A_242] : memref<400x64xf32, #tpu.memory_space<vmem>> -> memref<104x64xf32, #tpu.memory_space<vmem>>
      %dma_wait3A_244 = arith.constant 0 : i32
      %dma_wait3A_245 = tpu.memref_slice %arg5[%add3A_235, %dma_wait3A_244] : memref<128x200xi32, #tpu.memory_space<vmem>> -> memref<1x104xi32, #tpu.memory_space<vmem>>
      %dma_wait3A_246 = tpu.memref_squeeze %dma_wait3A_245 : memref<1x104xi32, #tpu.memory_space<vmem>> -> memref<104xi32, #tpu.memory_space<vmem>>
      %dma_wait3A_247 = arith.constant 0 : i32
      %dma_wait3A_248 = arith.constant 0 : i32
      %dma_wait3A_249 = tpu.memref_slice %arg2[%dma_wait3A_247, %dma_wait3A_248] : memref<1000000x64xf32, #tpu.memory_space<hbm>> -> memref<1000000x64xf32, #tpu.memory_space<hbm>>
      tpu.wait_indirect_dma semaphore(%arg9 : memref<!tpu.dma_semaphore, #tpu.memory_space<semaphore_mem>>) src(%dma_wait3A_249 : memref<1000000x64xf32, #tpu.memory_space<hbm>>) dst(%dma_wait3A_243 : memref<104x64xf32, #tpu.memory_space<vmem>>)
      %mul3A_250 = arith.constant 2 : i32
      %mul3A_251 = arith.muli %add3A_231, %mul3A_250 : i32
      %add3A_252 = arith.constant 0 : i32
      %add3A_253 = arith.addi %mul3A_251, %add3A_252 : i32
      %dma_wait3A_254 = arith.constant 1 : i32
      %dma_wait3A_255 = arith.constant 0 : i32
      %dma_wait3A_256 = arith.constant 0 : i32
      %dma_wait3A_257 = tpu.memref_slice %arg6[%dma_wait3A_254, %dma_wait3A_255, %dma_wait3A_256] : memref<2x400x64xf32, #tpu.memory_space<vmem>> -> memref<1x400x64xf32, #tpu.memory_space<vmem>>
      %dma_wait3A_258 = tpu.memref_squeeze %dma_wait3A_257 : memref<1x400x64xf32, #tpu.memory_space<vmem>> -> memref<400x64xf32, #tpu.memory_space<vmem>>
      %dma_wait3A_259 = arith.constant 104 : i32
      %dma_wait3A_260 = arith.constant 0 : i32
      %dma_wait3A_261 = tpu.memref_slice %dma_wait3A_258[%dma_wait3A_259, %dma_wait3A_260] : memref<400x64xf32, #tpu.memory_space<vmem>> -> memref<96x64xf32, #tpu.memory_space<vmem>>
      %dma_wait3A_262 = arith.constant 104 : i32
      %dma_wait3A_263 = tpu.memref_slice %arg5[%add3A_253, %dma_wait3A_262] : memref<128x200xi32, #tpu.memory_space<vmem>> -> memref<1x96xi32, #tpu.memory_space<vmem>>
      %dma_wait3A_264 = tpu.memref_squeeze %dma_wait3A_263 : memref<1x96xi32, #tpu.memory_space<vmem>> -> memref<96xi32, #tpu.memory_space<vmem>>
      %dma_wait3A_265 = arith.constant 0 : i32
      %dma_wait3A_266 = arith.constant 0 : i32
      %dma_wait3A_267 = tpu.memref_slice %arg2[%dma_wait3A_265, %dma_wait3A_266] : memref<1000000x64xf32, #tpu.memory_space<hbm>> -> memref<1000000x64xf32, #tpu.memory_space<hbm>>
      tpu.wait_indirect_dma semaphore(%arg9 : memref<!tpu.dma_semaphore, #tpu.memory_space<semaphore_mem>>) src(%dma_wait3A_267 : memref<1000000x64xf32, #tpu.memory_space<hbm>>) dst(%dma_wait3A_261 : memref<96x64xf32, #tpu.memory_space<vmem>>)
      %mul3A_268 = arith.constant 2 : i32
      %mul3A_269 = arith.muli %add3A_231, %mul3A_268 : i32
      %add3A_270 = arith.constant 1 : i32
      %add3A_271 = arith.addi %mul3A_269, %add3A_270 : i32
      %dma_wait3A_272 = arith.constant 1 : i32
      %dma_wait3A_273 = arith.constant 0 : i32
      %dma_wait3A_274 = arith.constant 0 : i32
      %dma_wait3A_275 = tpu.memref_slice %arg6[%dma_wait3A_272, %dma_wait3A_273, %dma_wait3A_274] : memref<2x400x64xf32, #tpu.memory_space<vmem>> -> memref<1x400x64xf32, #tpu.memory_space<vmem>>
      %dma_wait3A_276 = tpu.memref_squeeze %dma_wait3A_275 : memref<1x400x64xf32, #tpu.memory_space<vmem>> -> memref<400x64xf32, #tpu.memory_space<vmem>>
      %dma_wait3A_277 = arith.constant 200 : i32
      %dma_wait3A_278 = arith.constant 0 : i32
      %dma_wait3A_279 = tpu.memref_slice %dma_wait3A_276[%dma_wait3A_277, %dma_wait3A_278] : memref<400x64xf32, #tpu.memory_space<vmem>> -> memref<104x64xf32, #tpu.memory_space<vmem>>
      %dma_wait3A_280 = arith.constant 0 : i32
      %dma_wait3A_281 = tpu.memref_slice %arg5[%add3A_271, %dma_wait3A_280] : memref<128x200xi32, #tpu.memory_space<vmem>> -> memref<1x104xi32, #tpu.memory_space<vmem>>
      %dma_wait3A_282 = tpu.memref_squeeze %dma_wait3A_281 : memref<1x104xi32, #tpu.memory_space<vmem>> -> memref<104xi32, #tpu.memory_space<vmem>>
      %dma_wait3A_283 = arith.constant 0 : i32
      %dma_wait3A_284 = arith.constant 0 : i32
      %dma_wait3A_285 = tpu.memref_slice %arg2[%dma_wait3A_283, %dma_wait3A_284] : memref<1000000x64xf32, #tpu.memory_space<hbm>> -> memref<1000000x64xf32, #tpu.memory_space<hbm>>
      tpu.wait_indirect_dma semaphore(%arg9 : memref<!tpu.dma_semaphore, #tpu.memory_space<semaphore_mem>>) src(%dma_wait3A_285 : memref<1000000x64xf32, #tpu.memory_space<hbm>>) dst(%dma_wait3A_279 : memref<104x64xf32, #tpu.memory_space<vmem>>)
      %mul3A_286 = arith.constant 2 : i32
      %mul3A_287 = arith.muli %add3A_231, %mul3A_286 : i32
      %add3A_288 = arith.constant 1 : i32
      %add3A_289 = arith.addi %mul3A_287, %add3A_288 : i32
      %dma_wait3A_290 = arith.constant 1 : i32
      %dma_wait3A_291 = arith.constant 0 : i32
      %dma_wait3A_292 = arith.constant 0 : i32
      %dma_wait3A_293 = tpu.memref_slice %arg6[%dma_wait3A_290, %dma_wait3A_291, %dma_wait3A_292] : memref<2x400x64xf32, #tpu.memory_space<vmem>> -> memref<1x400x64xf32, #tpu.memory_space<vmem>>
      %dma_wait3A_294 = tpu.memref_squeeze %dma_wait3A_293 : memref<1x400x64xf32, #tpu.memory_space<vmem>> -> memref<400x64xf32, #tpu.memory_space<vmem>>
      %dma_wait3A_295 = arith.constant 304 : i32
      %dma_wait3A_296 = arith.constant 0 : i32
      %dma_wait3A_297 = tpu.memref_slice %dma_wait3A_294[%dma_wait3A_295, %dma_wait3A_296] : memref<400x64xf32, #tpu.memory_space<vmem>> -> memref<96x64xf32, #tpu.memory_space<vmem>>
      %dma_wait3A_298 = arith.constant 104 : i32
      %dma_wait3A_299 = tpu.memref_slice %arg5[%add3A_289, %dma_wait3A_298] : memref<128x200xi32, #tpu.memory_space<vmem>> -> memref<1x96xi32, #tpu.memory_space<vmem>>
      %dma_wait3A_300 = tpu.memref_squeeze %dma_wait3A_299 : memref<1x96xi32, #tpu.memory_space<vmem>> -> memref<96xi32, #tpu.memory_space<vmem>>
      %dma_wait3A_301 = arith.constant 0 : i32
      %dma_wait3A_302 = arith.constant 0 : i32
      %dma_wait3A_303 = tpu.memref_slice %arg2[%dma_wait3A_301, %dma_wait3A_302] : memref<1000000x64xf32, #tpu.memory_space<hbm>> -> memref<1000000x64xf32, #tpu.memory_space<hbm>>
      tpu.wait_indirect_dma semaphore(%arg9 : memref<!tpu.dma_semaphore, #tpu.memory_space<semaphore_mem>>) src(%dma_wait3A_303 : memref<1000000x64xf32, #tpu.memory_space<hbm>>) dst(%dma_wait3A_297 : memref<96x64xf32, #tpu.memory_space<vmem>>)
      %scan3A_304 = arith.constant 0 : i32
      %scan3A_305 = arith.constant 0 : i32
      %scan3A_306 = arith.constant 200 : i32
      %scan3A_307 = arith.addi %scan3A_305, %scan3A_306 : i32
      %scan3A_308 = arith.constant 1 : i32
      scf.for %scan3A_315 = %scan3A_305 to %scan3A_307 step %scan3A_308  : i32 {
        %add3A_316 = arith.constant 0 : i32
        %add3A_317 = arith.addi %add3A_316, %scan3A_315 : i32
        %get3A = arith.constant 1 : i32
        %get3A_318 = arith.index_cast %get3A : i32 to index
        %get3A_319 = arith.index_cast %add3A_317 : i32 to index
        %get3A_320 = arith.constant 0 : index
        %get3A_321 = tpu.vector_load %arg6[%get3A_318, %get3A_319, %get3A_320] {strides = array<i32>} : memref<2x400x64xf32, #tpu.memory_space<vmem>>, vector<16xf32>,
        %mul3A_322 = arith.constant 8.000000e+00 : f32
        %mul3A_323 = vector.broadcast %mul3A_322 : f32 to vector<16xf32>
        %mul3A_324 = arith.mulf %get3A_321, %mul3A_323 : vector<16xf32>
        %swap3A = arith.constant 0 : i32
        %swap3A_325 = arith.index_cast %swap3A : i32 to index
        %swap3A_326 = arith.index_cast %scan3A_315 : i32 to index
        %swap3A_327 = arith.constant 0 : index
        %swap3A_328 = tpu.vector_load %arg7[%swap3A_325, %swap3A_326, %swap3A_327] {strides = array<i32>} : memref<2x200x64xf32, #tpu.memory_space<vmem>>, vector<16xf32>,
        tpu.vector_store %arg7[%swap3A_325, %swap3A_326, %swap3A_327], %mul3A_324 {strides = array<i32>} : memref<2x200x64xf32, #tpu.memory_space<vmem>>, vector<16xf32>,
        %add3A_329 = arith.constant 0 : i32
        %add3A_330 = arith.addi %add3A_329, %scan3A_315 : i32
        %get3A_331 = arith.constant 1 : i32
        %get3A_332 = arith.index_cast %get3A_331 : i32 to index
        %get3A_333 = arith.index_cast %add3A_330 : i32 to index
        %get3A_334 = arith.constant 16 : index
        %get3A_335 = tpu.vector_load %arg6[%get3A_332, %get3A_333, %get3A_334] {strides = array<i32>} : memref<2x400x64xf32, #tpu.memory_space<vmem>>, vector<16xf32>,
        %mul3A_336 = arith.constant 8.000000e+00 : f32
        %mul3A_337 = vector.broadcast %mul3A_336 : f32 to vector<16xf32>
        %mul3A_338 = arith.mulf %get3A_335, %mul3A_337 : vector<16xf32>
        %swap3A_339 = arith.constant 0 : i32
        %swap3A_340 = arith.index_cast %swap3A_339 : i32 to index
        %swap3A_341 = arith.index_cast %scan3A_315 : i32 to index
        %swap3A_342 = arith.constant 16 : index
        %swap3A_343 = tpu.vector_load %arg7[%swap3A_340, %swap3A_341, %swap3A_342] {strides = array<i32>} : memref<2x200x64xf32, #tpu.memory_space<vmem>>, vector<16xf32>,
        tpu.vector_store %arg7[%swap3A_340, %swap3A_341, %swap3A_342], %mul3A_338 {strides = array<i32>} : memref<2x200x64xf32, #tpu.memory_space<vmem>>, vector<16xf32>,
        %add3A_344 = arith.constant 0 : i32
        %add3A_345 = arith.addi %add3A_344, %scan3A_315 : i32
        %get3A_346 = arith.constant 1 : i32
        %get3A_347 = arith.index_cast %get3A_346 : i32 to index
        %get3A_348 = arith.index_cast %add3A_345 : i32 to index
        %get3A_349 = arith.constant 32 : index
        %get3A_350 = tpu.vector_load %arg6[%get3A_347, %get3A_348, %get3A_349] {strides = array<i32>} : memref<2x400x64xf32, #tpu.memory_space<vmem>>, vector<16xf32>,
        %mul3A_351 = arith.constant 8.000000e+00 : f32
        %mul3A_352 = vector.broadcast %mul3A_351 : f32 to vector<16xf32>
        %mul3A_353 = arith.mulf %get3A_350, %mul3A_352 : vector<16xf32>
        %swap3A_354 = arith.constant 0 : i32
        %swap3A_355 = arith.index_cast %swap3A_354 : i32 to index
        %swap3A_356 = arith.index_cast %scan3A_315 : i32 to index
        %swap3A_357 = arith.constant 32 : index
        %swap3A_358 = tpu.vector_load %arg7[%swap3A_355, %swap3A_356, %swap3A_357] {strides = array<i32>} : memref<2x200x64xf32, #tpu.memory_space<vmem>>, vector<16xf32>,
        tpu.vector_store %arg7[%swap3A_355, %swap3A_356, %swap3A_357], %mul3A_353 {strides = array<i32>} : memref<2x200x64xf32, #tpu.memory_space<vmem>>, vector<16xf32>,
        %add3A_359 = arith.constant 0 : i32
        %add3A_360 = arith.addi %add3A_359, %scan3A_315 : i32
        %get3A_361 = arith.constant 1 : i32
        %get3A_362 = arith.index_cast %get3A_361 : i32 to index
        %get3A_363 = arith.index_cast %add3A_360 : i32 to index
        %get3A_364 = arith.constant 48 : index
        %get3A_365 = tpu.vector_load %arg6[%get3A_362, %get3A_363, %get3A_364] {strides = array<i32>} : memref<2x400x64xf32, #tpu.memory_space<vmem>>, vector<16xf32>,
        %mul3A_366 = arith.constant 8.000000e+00 : f32
        %mul3A_367 = vector.broadcast %mul3A_366 : f32 to vector<16xf32>
        %mul3A_368 = arith.mulf %get3A_365, %mul3A_367 : vector<16xf32>
        %swap3A_369 = arith.constant 0 : i32
        %swap3A_370 = arith.index_cast %swap3A_369 : i32 to index
        %swap3A_371 = arith.index_cast %scan3A_315 : i32 to index
        %swap3A_372 = arith.constant 48 : index
        %swap3A_373 = tpu.vector_load %arg7[%swap3A_370, %swap3A_371, %swap3A_372] {strides = array<i32>} : memref<2x200x64xf32, #tpu.memory_space<vmem>>, vector<16xf32>,
        tpu.vector_store %arg7[%swap3A_370, %swap3A_371, %swap3A_372], %mul3A_368 {strides = array<i32>} : memref<2x200x64xf32, #tpu.memory_space<vmem>>, vector<16xf32>,
        %add3A_374 = arith.constant 200 : i32
        %add3A_375 = arith.addi %add3A_374, %scan3A_315 : i32
        %get3A_376 = arith.constant 1 : i32
        %get3A_377 = arith.index_cast %get3A_376 : i32 to index
        %get3A_378 = arith.index_cast %add3A_375 : i32 to index
        %get3A_379 = arith.constant 0 : index
        %get3A_380 = tpu.vector_load %arg6[%get3A_377, %get3A_378, %get3A_379] {strides = array<i32>} : memref<2x400x64xf32, #tpu.memory_space<vmem>>, vector<16xf32>,
        %mul3A_381 = arith.constant 8.000000e+00 : f32
        %mul3A_382 = vector.broadcast %mul3A_381 : f32 to vector<16xf32>
        %mul3A_383 = arith.mulf %get3A_380, %mul3A_382 : vector<16xf32>
        %swap3A_384 = arith.constant 1 : i32
        %swap3A_385 = arith.index_cast %swap3A_384 : i32 to index
        %swap3A_386 = arith.index_cast %scan3A_315 : i32 to index
        %swap3A_387 = arith.constant 0 : index
        %swap3A_388 = tpu.vector_load %arg7[%swap3A_385, %swap3A_386, %swap3A_387] {strides = array<i32>} : memref<2x200x64xf32, #tpu.memory_space<vmem>>, vector<16xf32>,
        tpu.vector_store %arg7[%swap3A_385, %swap3A_386, %swap3A_387], %mul3A_383 {strides = array<i32>} : memref<2x200x64xf32, #tpu.memory_space<vmem>>, vector<16xf32>,
        %add3A_389 = arith.constant 200 : i32
        %add3A_390 = arith.addi %add3A_389, %scan3A_315 : i32
        %get3A_391 = arith.constant 1 : i32
        %get3A_392 = arith.index_cast %get3A_391 : i32 to index
        %get3A_393 = arith.index_cast %add3A_390 : i32 to index
        %get3A_394 = arith.constant 16 : index
        %get3A_395 = tpu.vector_load %arg6[%get3A_392, %get3A_393, %get3A_394] {strides = array<i32>} : memref<2x400x64xf32, #tpu.memory_space<vmem>>, vector<16xf32>,
        %mul3A_396 = arith.constant 8.000000e+00 : f32
        %mul3A_397 = vector.broadcast %mul3A_396 : f32 to vector<16xf32>
        %mul3A_398 = arith.mulf %get3A_395, %mul3A_397 : vector<16xf32>
        %swap3A_399 = arith.constant 1 : i32
        %swap3A_400 = arith.index_cast %swap3A_399 : i32 to index
        %swap3A_401 = arith.index_cast %scan3A_315 : i32 to index
        %swap3A_402 = arith.constant 16 : index
        %swap3A_403 = tpu.vector_load %arg7[%swap3A_400, %swap3A_401, %swap3A_402] {strides = array<i32>} : memref<2x200x64xf32, #tpu.memory_space<vmem>>, vector<16xf32>,
        tpu.vector_store %arg7[%swap3A_400, %swap3A_401, %swap3A_402], %mul3A_398 {strides = array<i32>} : memref<2x200x64xf32, #tpu.memory_space<vmem>>, vector<16xf32>,
        %add3A_404 = arith.constant 200 : i32
        %add3A_405 = arith.addi %add3A_404, %scan3A_315 : i32
        %get3A_406 = arith.constant 1 : i32
        %get3A_407 = arith.index_cast %get3A_406 : i32 to index
        %get3A_408 = arith.index_cast %add3A_405 : i32 to index
        %get3A_409 = arith.constant 32 : index
        %get3A_410 = tpu.vector_load %arg6[%get3A_407, %get3A_408, %get3A_409] {strides = array<i32>} : memref<2x400x64xf32, #tpu.memory_space<vmem>>, vector<16xf32>,
        %mul3A_411 = arith.constant 8.000000e+00 : f32
        %mul3A_412 = vector.broadcast %mul3A_411 : f32 to vector<16xf32>
        %mul3A_413 = arith.mulf %get3A_410, %mul3A_412 : vector<16xf32>
        %swap3A_414 = arith.constant 1 : i32
        %swap3A_415 = arith.index_cast %swap3A_414 : i32 to index
        %swap3A_416 = arith.index_cast %scan3A_315 : i32 to index
        %swap3A_417 = arith.constant 32 : index
        %swap3A_418 = tpu.vector_load %arg7[%swap3A_415, %swap3A_416, %swap3A_417] {strides = array<i32>} : memref<2x200x64xf32, #tpu.memory_space<vmem>>, vector<16xf32>,
        tpu.vector_store %arg7[%swap3A_415, %swap3A_416, %swap3A_417], %mul3A_413 {strides = array<i32>} : memref<2x200x64xf32, #tpu.memory_space<vmem>>, vector<16xf32>,
        %add3A_419 = arith.constant 200 : i32
        %add3A_420 = arith.addi %add3A_419, %scan3A_315 : i32
        %get3A_421 = arith.constant 1 : i32
        %get3A_422 = arith.index_cast %get3A_421 : i32 to index
        %get3A_423 = arith.index_cast %add3A_420 : i32 to index
        %get3A_424 = arith.constant 48 : index
        %get3A_425 = tpu.vector_load %arg6[%get3A_422, %get3A_423, %get3A_424] {strides = array<i32>} : memref<2x400x64xf32, #tpu.memory_space<vmem>>, vector<16xf32>,
        %mul3A_426 = arith.constant 8.000000e+00 : f32
        %mul3A_427 = vector.broadcast %mul3A_426 : f32 to vector<16xf32>
        %mul3A_428 = arith.mulf %get3A_425, %mul3A_427 : vector<16xf32>
        %swap3A_429 = arith.constant 1 : i32
        %swap3A_430 = arith.index_cast %swap3A_429 : i32 to index
        %swap3A_431 = arith.index_cast %scan3A_315 : i32 to index
        %swap3A_432 = arith.constant 48 : index
        %swap3A_433 = tpu.vector_load %arg7[%swap3A_430, %swap3A_431, %swap3A_432] {strides = array<i32>} : memref<2x200x64xf32, #tpu.memory_space<vmem>>, vector<16xf32>,
        tpu.vector_store %arg7[%swap3A_430, %swap3A_431, %swap3A_432], %mul3A_428 {strides = array<i32>} : memref<2x200x64xf32, #tpu.memory_space<vmem>>, vector<16xf32>,
      }
      %scan3A_309 = arith.constant 200 : i32
      %mul3A_310 = arith.constant 128 : i32
      %mul3A_311 = arith.muli %add3A, %mul3A_310 : i32
      %mul3A_312 = arith.constant 2 : i32
      %mul3A_313 = arith.muli %add3A_231, %mul3A_312 : i32
      %add3A_314 = arith.addi %mul3A_311, %mul3A_313 : i32
      "tpu.region"() ({
        %run_scoped3A = tpu.sem_alloc : memref<!tpu.dma_semaphore, #tpu.memory_space<semaphore_mem>>
        %dma_start3A_315 = arith.constant 0 : i32
        %dma_start3A_316 = arith.constant 0 : i32
        %dma_start3A_317 = tpu.memref_slice %arg4[%add3A_314, %dma_start3A_315, %dma_start3A_316] : memref<4096x200x64xf32, #tpu.memory_space<hbm>> -> memref<2x200x64xf32, #tpu.memory_space<hbm>>
        %dma_start3A_318 = arith.constant 0 : i32
        %dma_start3A_319 = arith.constant 0 : i32
        %dma_start3A_320 = tpu.memref_slice %arg4[%add3A_314, %dma_start3A_318, %dma_start3A_319] : memref<4096x200x64xf32, #tpu.memory_space<hbm>> -> memref<2x200x64xf32, #tpu.memory_space<hbm>>
        tpu.enqueue_dma source(%arg7 : memref<2x200x64xf32, #tpu.memory_space<vmem>>) target(%dma_start3A_320 : memref<2x200x64xf32, #tpu.memory_space<hbm>>) target_semaphore(%run_scoped3A : memref<!tpu.dma_semaphore, #tpu.memory_space<semaphore_mem>>)
        %dma_wait3A_321 = arith.constant 0 : i32
        %dma_wait3A_322 = arith.constant 0 : i32
        %dma_wait3A_323 = tpu.memref_slice %arg4[%add3A_314, %dma_wait3A_321, %dma_wait3A_322] : memref<4096x200x64xf32, #tpu.memory_space<hbm>> -> memref<2x200x64xf32, #tpu.memory_space<hbm>>
        %dma_wait3A_324 = arith.constant 0 : i32
        %dma_wait3A_325 = arith.constant 0 : i32
        %dma_wait3A_326 = tpu.memref_slice %arg4[%add3A_314, %dma_wait3A_324, %dma_wait3A_325] : memref<4096x200x64xf32, #tpu.memory_space<hbm>> -> memref<2x200x64xf32, #tpu.memory_space<hbm>>
        tpu.wait_dma2 semaphore(%run_scoped3A : memref<!tpu.dma_semaphore, #tpu.memory_space<semaphore_mem>>) src(%arg7 : memref<2x200x64xf32, #tpu.memory_space<vmem>>) dst(%dma_wait3A_326 : memref<2x200x64xf32, #tpu.memory_space<hbm>>)
        tpu.yield
      }) : () -> ()
    }
    %scan3A_66 = arith.constant 32 : i32
    return
  }
}

</mosaic_0001>

<sc_bundles>
// kernel: _emb_lookup.3.cloned.1.call-start
scs
__scs_entry_jumppad:
0x0: {  	(pc) =	sbr.rel $0x88, $3  }
0x1: {  	(tag) =	ssettag $0x0;
	lr =	simm.s32 $0x1  }
0x2: {  	[smem:$0x3F9F] =	sst lr;
	_ =	strace $0xD0000000  }
0x3: {  	_ = 	snop  }
0x4: {  	_ = 	snop  }
0x5: {  	_ = 	snop  }
0x6: {  	_ = 	snop  }
0x7: {  	_ = 	snop  }
__scs_overlays_trampoline_lowered:
0x8: {  	[smem:$0x3FAE] =	sst s0  }
0x9: {  	[smem:$0x3FAF] =	sst s1  }
0xa: {  	[smem:$0x3FB0] =	sst s2  }
0xb: {  	[smem:$0x3FB1] =	sst s3  }
0xc: {  	[smem:$0x3FB2] =	sst s4  }
0xd: {  	[smem:$0x3FB3] =	sst s5  }
0xe: {  	[smem:$0x3FB4] =	sst s6  }
0xf: {  	[smem:$0x3FB5] =	sst s7  }
0x10: {  	[smem:$0x3FB6] =	sst s8  }
0x11: {  	[smem:$0x3FB7] =	sst s9;
	s0 =	simm.s32 @!p0 $0x0  }
0x12: {  	s1 =	sld [smem:$0x3F9D];
	s0 =	simm.s32 @p0 $0x1  }
0x13: {  	[smem:$0x3FB8] =	sst s0;
	s0 =	simm.s32 @!p1 $0x0  }
0x14: {  	s2 =	sld [smem:$0x3F9C];
	s0 =	simm.s32 @p1 $0x1  }
0x15: {  	[smem:$0x3FB9] =	sst s0;
	s0 =	simm.s32 @!p2 $0x0  }
0x16: {  	s3 =	sld [smem:$0x3FDB];
	s0 =	simm.s32 @p2 $0x1  }
0x17: {  	s4 =	simm.s32 $0x1BF5;
	[smem:$0x3FBB] =	sst s0  }
0x18: {  	s0 =	sld [smem:$0x3F9E];
	_ =	swait.ge [sflag:s4], $0x0  }
0x19: {  	s7 =	sld [smem:$0x3F9F]  }
0x1a: {  	s8 =	sadd.s32 $0xFFFFE003, lr  }
0x1b: {  	s9 =	sadd.s32 $0xFFFFFEF7, lr;
	s5 =	simm.s32 $0xFFFFFFFF;
	p2 =	slt.u32 s8, $0xFFFFF086  }
0x1c: {  	p1 =	slt.u32 s9, $0xF7A;
	s5 =	simm.s32 @!p2 $0x0  }
0x1d: {  	s5 =	simm.s32 @p1 $0x1;
	p0 =	seq.s32 s7, s2  }
0x1e: {  	s7 =	smul.u32 @!p0 $0xF7A, s2;
	p2 =	seq.s32 @!p0 s5, $0x0  }
0x1f: {  	s9 =	smul.u32 $0xF7A, s1;
	s8 =	simm.s32 @!p0 $0x1BF5;
	p2 =	por !p2, p0  }
0x20: {  	[sflag:s8] =	ssyncset.s32 @!p0 $0xFFFFF086;
	s6 =	sadd.s32 @!p0 s3, s7;
	s7 =	simm.s32 @!p0 $0x108  }
0x21: {  	s3 =	sadd.s32 s3, s9;
	s6 =	sadd.s32 @!p0 $0x88, s6;
	s7 =	simm.s32 @p2 $0x1082  }
0x22: {  	[simem:s7], [sflag:s8] =	dma.local @!p0 [hbm:s6], $0xF7A  }
0x23: {  	s9 =	sor.u32 $0xD0000000, s2;
	s6 =	simm.s32 $0x108;
	_ =	swait.ge @!p0 [sflag:s8], $0x0  }
0x24: {  	s3 =	sadd.s32 $0x88, s3;
	s6 =	simm.s32 @!p1 $0x1082;
	[sflag:s4] =	ssyncset.s32 $0xFFFFF086  }
0x25: {  	[simem:s6], [sflag:s4] =	dma.local [hbm:s3], $0xF7A  }
0x26: {  	[smem:$0x3F9F] =	sst s1;
	(tag) =	ssettag s2;
	_ =	strace s9  }
0x27: {  	s1 =	sld [smem:$0x3FAF]  }
0x28: {  	s2 =	sld [smem:$0x3FB0]  }
0x29: {  	s4 =	sld [smem:$0x3FB2]  }
0x2a: {  	p0 =	seq.s32 s5, $0x0;
	s5 =	sld [smem:$0x3FB3]  }
0x2b: {  	s6 =	sld [smem:$0x3FB4]  }
0x2c: {  	s7 =	sld [smem:$0x3FB5]  }
0x2d: {  	s3 =	simm.s32 $0x108;
	s8 =	sld [smem:$0x3FB6]  }
0x2e: {  	s3 =	simm.s32 @!p0 $0x1082;
	s9 =	sld [smem:$0x3FB7]  }
0x2f: {  	lr =	sadd.s32 s0, s3;
	s0 =	sld [smem:$0x3FAE]  }
0x30: {  	s3 =	sld [smem:$0x3FB1]  }
0x31: {  	[smem:$0x3FBA] =	sst s10  }
0x32: {  	s10 =	sld [smem:$0x3FB8];
	_ =	sdelay $0x3  }
0x33: {  	p0 =	seq.s32 s10, $0x1;
	s10 =	sld [smem:$0x3FBA];
	_ =	sdelay $0x3  }
0x34: {  	[smem:$0x3FBA] =	sst s10  }
0x35: {  	s10 =	sld [smem:$0x3FB9];
	_ =	sdelay $0x3  }
0x36: {  	p1 =	seq.s32 s10, $0x1;
	s10 =	sld [smem:$0x3FBA];
	_ =	sdelay $0x3  }
0x37: {  	[smem:$0x3FBA] =	sst s10  }
0x38: {  	s10 =	sld [smem:$0x3FBB]  }
0x39: {  	_ = 	snop;
	(pc) =	sbr.ind lr, $3  }
0x3a: {  	_ = 	snop  }
0x3b: {  	_ = 	snop  }
0x3c: {  	p2 =	seq.s32 s10, $0x1;
	s10 =	sld [smem:$0x3FBA]  }
0x3d: {  	_ =	shalt  }
0x3e: {  	_ =	shalt  }
0x3f: {  	_ =	shalt  }
0x40: {  	_ =	shalt  }
0x41: {  	_ =	shalt  }
0x42: {  	_ =	shalt  }
0x43: {  	_ =	shalt  }
0x44: {  	_ =	shalt  }
0x45: {  	_ =	shalt  }
0x46: {  	_ =	shalt  }
0x47: {  	_ =	shalt  }
0x48: {  	_ =	shalt  }
0x49: {  	_ =	shalt  }
0x4a: {  	_ =	shalt  }
0x4b: {  	_ =	shalt  }
0x4c: {  	_ =	shalt  }
0x4d: {  	_ =	shalt  }
0x4e: {  	_ =	shalt  }
0x4f: {  	_ =	shalt  }
0x50: {  	_ =	shalt  }
0x51: {  	_ =	shalt  }
0x52: {  	_ =	shalt  }
0x53: {  	_ =	shalt  }
0x54: {  	_ =	shalt  }
0x55: {  	_ =	shalt  }
0x56: {  	_ =	shalt  }
0x57: {  	_ =	shalt  }
0x58: {  	_ =	shalt  }
0x59: {  	_ =	shalt  }
0x5a: {  	_ =	shalt  }
0x5b: {  	_ =	shalt  }
0x5c: {  	_ =	shalt  }
0x5d: {  	_ =	shalt  }
0x5e: {  	_ =	shalt  }
0x5f: {  	_ =	shalt  }
0x60: {  	_ =	shalt  }
0x61: {  	_ =	shalt  }
0x62: {  	_ =	shalt  }
0x63: {  	_ =	shalt  }
0x64: {  	_ =	shalt  }
0x65: {  	_ =	shalt  }
0x66: {  	_ =	shalt  }
0x67: {  	_ =	shalt  }
0x68: {  	_ =	shalt  }
0x69: {  	_ =	shalt  }
0x6a: {  	_ =	shalt  }
0x6b: {  	_ =	shalt  }
0x6c: {  	_ =	shalt  }
0x6d: {  	_ =	shalt  }
0x6e: {  	_ =	shalt  }
0x6f: {  	_ =	shalt  }
0x70: {  	_ =	shalt  }
0x71: {  	_ =	shalt  }
0x72: {  	_ =	shalt  }
0x73: {  	_ =	shalt  }
0x74: {  	_ =	shalt  }
0x75: {  	_ =	shalt  }
0x76: {  	_ =	shalt  }
0x77: {  	_ =	shalt  }
0x78: {  	_ =	shalt  }
0x79: {  	_ =	shalt  }
0x7a: {  	_ =	shalt  }
0x7b: {  	_ =	shalt  }
0x7c: {  	_ =	shalt  }
0x7d: {  	_ =	shalt  }
0x7e: {  	_ =	shalt  }
0x7f: {  	_ =	shalt  }
0x80: {  	_ =	shalt  }
0x81: {  	_ =	shalt  }
0x82: {  	_ =	shalt  }
0x83: {  	_ =	shalt  }
0x84: {  	_ =	shalt  }
0x85: {  	_ =	shalt  }
0x86: {  	_ =	shalt  }
0x87: {  	_ =	shalt  }
.Lfunc_end0:
.L_simem_size_0:
called_computation.1_lowered:
.L_overlay_start_0:
0x88: {  	s2 =	sld [smem:$0x3FD9]  }
0x89: {  	s3 =	sld [smem:$0x3FFE];
	_ =	sdelay $0x1  }
0x8a: {  	s1 =	srdreg.scid  }
0x8b: {  	s0 =	sand.u32 $0x1, s1  }
0x8c: {  	s17 =	sshll.u32 s0, $0xA;
	s2 =	sadd.s32 s3, s2  }
0x8d: {  	s2 =	sadd.s32 s2, s17  }
0x8e: {  	[smem:$0x3FC6] =	sst s2  }
0x8f: {  	_ = 	snop  }
0x90: {  	s2 =	sld [smem:$0x3FD0];
	(tm) =	ssettm $0x1  }
0x91: {  	s18 =	sld [smem:$0x3FFB];
	_ =	sdelay $0x3  }
0x92: {  	_ =	strace s18  }
0x93: {  	s3 =	sld [smem:$0x3FFC];
	_ =	sdelay $0x3  }
0x94: {  	_ =	strace s3  }
0x95: {  	s3 =	sld [smem:$0x3FFD];
	_ =	sdelay $0x3  }
0x96: {  	_ =	strace s3  }
0x97: {  	_ =	strace $0x8FFFFFFF  }
0x98: {  	s19 =	sld [smem:$0x3FDB];
	_ =	sdelay $0x1  }
0x99: {  	s4 =	simm.s32 $_scs_section_size  }
0x9a: {  	s5 =	simm.s32 $_size__tile_overlayer_lowered;
	s6 =	simm.s32 $_tile_overlayer_lowered  }
0x9b: {  	s22 =	simm.s32 $0x1BFF;
	s21 =	sshll.u32 s6, $0x1;
	s3 =	sadd.s32 s4, s19  }
0x9c: {  	s7 =	simm.s32 $0x0;
	s20 =	sshll.u32 s5, $0x1;
	s5 =	sadd.s32 s21, s3  }
0x9d: {  	[timem:s7], [sflag:s22] =	dma.local [hbm:s5], s20  }
0x9e: {  	_ =	swait.ge [sflag:s22], s20  }
0x9f: {  	s4 =	ssub.s32 $0x0, s20;
	[sflag:s22] =	ssyncset.done $0x0  }
0xa0: {  	[sflag:s22] =	ssyncadd.s32 s4;
	_ =	sdelay $0x1  }
0xa1: {  	s23 =	simm.s32 $0x1B8B  }
0xa2: {  	_ =	swait.ge [sflag:s23], $0x1  }
0xa3: {  	[sflag:s23] =	ssyncset.done $0x0  }
0xa4: {  	s25 =	simm.s32 $0x1B8E;
	s24 =	sld [smem:$0x3FFE];
	[sflag:s23] =	ssyncadd.s32 $0xFFFFFFFF  }
0xa5: {  	s26 =	simm.s32 $execute0_lowered;
	[smem:$0x3FD2] =	sst s25  }
0xa6: {  	s5 =	sshll.u32 s26, $0x1;
	_ =	strace $0x80000046;
	[dreg:$0x1] =	wrdreg $0xFFFFFFFF  }
0xa7: {  	s28 =	simm.s32 $_size_execute0_lowered;
	s3 =	sadd.s32 s3, s5;
	[dreg:$0x0] =	wrdreg $0x0  }
0xa8: {  	s5 =	sshll.u32 s28, $0x1;
	[dreg:$0x2] =	wrdreg s3  }
0xa9: {  	[dreg:$0x3] =	wrdreg s5  }
0xaa: {  	[dreg:$0x4] =	wrdreg $0xC0  }
0xab: {  	_ =	task [dreg:s7], $0x5FFFF  }
0xac: {  	[dreg:$0x1] =	wrdreg $0xFFFFFFFF  }
0xad: {  	[dreg:$0x0] =	wrdreg $0x60  }
0xae: {  	[dreg:$0x2] =	wrdreg s24  }
0xaf: {  	[dreg:$0x3] =	wrdreg s2  }
0xb0: {  	[dreg:$0x4] =	wrdreg $0x9  }
0xb1: {  	_ =	task.clear_ibuf [dreg:s7], $0x5FFFF;
	_ =	strace $0x90000046  }
0xb2: {  	s29 =	simm.s32 $0x9;
	_ =	strace $0x80000048  }
0xb3: {  	_ =	swait.ge [sflag:s29], $0x1  }
0xb4: {  	[sflag:s29] =	ssyncadd.s32 $0xFFFFFFFF  }
0xb5: {  	_ =	strace $0x90000048  }
0xb6: {  	_ =	sfence  }
0xb7: {  	s30 =	sld [smem:$0x0];
	_ =	sdelay $0x2  }
0xb8: {  	s31 =	sshll.u32 s1, $0xD;
	s1 =	sshrl.u32 s1, $0x2  }
0xb9: {  	s3 =	sand.u32 $0x4000, s31;
	s1 =	sadd.s32 s1, s30  }
0xba: {  	s0 =	sor.u32 s3, s0;
	s1 =	sshll.u32 s1, $0x11  }
0xbb: {  	s0 =	sor.u32 s1, s0  }
0xbc: {  	s0 =	sadd.s32 $0x8F2B, s0  }
0xbd: {  	[sflag:s0] =	ssyncadd.remote.s32 $0x1  }
0xbe: {  	_ =	sfence.sel $0xFFFF  }
0xbf: {  	[dreg:$0x0] =	wrdreg $0xFFFFFFFF;
	(pc) =	sbr.abs _section_cstart, $3  }
0xc0: {  	[dreg:$0x1] =	wrdreg $0xFFFFFFFF  }
0xc1: {  	_ =	task.clear_ibuf [dreg:s7], $0x2FFFF;
	_ =	strace $0x9FFFFFFF  }
0xc2: {  	(tm) =	ssettm $0x7FFFFFFF  }
0xc3: {  	_ =	shalt  }
tec
execute0_lowered:
.L_overlay_start_1:
0x0: {  	(tag) =	ssettag $0x1  }
0x1: {  	s1 =	srdreg.scid  }
0x2: {  	s0 =	stileid.u32;
	s5 =	rddreg [dreg:$0x0]  }
0x3: {  	s2 =	rddreg [dreg:$0x1];
	s8 =	simm.s32 $0x3;
	s9 =	simm.s32 $0x68  }
0x4: {  	s10 =	simm.s32 $0x6400;
	s11 =	simm.s32 $0x60;
	s12 =	simm.s32 $0x7E00  }
0x5: {  	s13 =	simm.s32 $0xC8;
	s14 =	simm.s32 $0x9600;
	s15 =	simm.s32 $0x130  }
0x6: {  	s16 =	simm.s32 $0xB000;
	s17 =	simm.s32 $0xC800;
	s18 =	simm.s32 $0xE200  }
0x7: {  	s19 =	simm.s32 $0xFA00;
	s20 =	simm.s32 $0x11400;
	s1 =	sand.u32 $0x1, s1  }
0x8: {  	s21 =	simm.s32 $0x1;
	s3 =	sshll.u32 s0, $0x8;
	s4 =	sshll.u32 s1, $0x7  }
0x9: {  	s22 =	simm.s32 $0x12C00;
	s23 =	simm.s32 $0x2;
	s3 =	sor.u32 s4, s3  }
0xa: {  	s1 =	ssub.s32 $0x2, s1;
	s4 =	simm.s32 $0x0;
	s6 =	smul.u32 $0x19, s3  }
0xb: {  	s24 =	simm.s32 $0x0;
	s7 =	sshrl.u32 s1, $0x1;
	[smem:$0x7FF] =	sst s4  }
0xc: {  	s1 =	ssub.s32 s1, s7;
	_ =	strace $0x80000047;
	s6 =	sadd.s32 s6, s5  }
0xd: {  	s7 =	smax.u32 s1, $0x1;
	s5 =	sadd.s32 $0xF42E00, s5;
	s6 =	sadd.s32 $0xA00, s6  }
.LBB2_1:
0xe: {  	[tilespmem:s4], [sflag:$0x3] =	stream.linear.gather [hbm4b:s6+s4], $0x6400, $0x38;
	[tilespmem:$0x19000] =	vst v63  }
0xf: {  	_ =	swait.ge [sflag:s8], $0x6400  }
0x10: {  	[sflag:s8] =	ssyncset.done $0x0  }
0x11: {  	[sflag:s8] =	ssyncadd.s32 $0xFFFF9C00  }
0x12: {  	[tilespmem:s10], [sflag:$0x1] =	stream.indirect.gather [hbm4b:s5+s9], $0x40, s4, s9, $0xb8;
	[tilespmem:$0x19000] =	vst v63  }
0x13: {  	_ = 	snop  }
0x14: {  	[tilespmem:s12], [sflag:$0x1] =	stream.indirect.gather [hbm4b:s5+s11], $0x40, s9, s11, $0xb8;
	[tilespmem:$0x19000] =	vst v63  }
0x15: {  	_ = 	snop  }
0x16: {  	[tilespmem:s14], [sflag:$0x1] =	stream.indirect.gather [hbm4b:s5+s9], $0x40, s13, s9, $0xb8;
	[tilespmem:$0x19000] =	vst v63  }
0x17: {  	s26 =	simm.s32 $0x0  }
0x18: {  	[tilespmem:s16], [sflag:$0x1] =	stream.indirect.gather [hbm4b:s5+s11], $0x40, s15, s11, $0xb8;
	[tilespmem:$0x19000] =	vst v63  }
.LBB2_2:
0x19: {  	s29 =	sshll.u32 s26, $0x2  }
0x1a: {  	s25 =	sor.u32 $0x2, s29  }
0x1b: {  	s1 =	smul.u32 $0x320, s25;
	_ =	sdelay $0x1  }
0x1c: {  	s28 =	smul.u32 $0xC80, s26;
	s1 =	sshra.s32 s1, $0x2  }
0x1d: {  	[tilespmem:s17], [sflag:$0x2] =	stream.indirect.gather [hbm4b:s5+s9], $0x40, s1, s9, $0xb8;
	[tilespmem:$0x19000] =	vst v63  }
0x1e: {  	s28 =	sshra.s32 s28, $0x2;
	s1 =	sadd.s32 $0x68, s1  }
0x1f: {  	[tilespmem:s18], [sflag:$0x2] =	stream.indirect.gather [hbm4b:s5+s11], $0x40, s1, s11, $0xb8;
	[tilespmem:$0x19000] =	vst v63  }
0x20: {  	s1 =	sadd.s32 $0x258, s28  }
0x21: {  	[tilespmem:s19], [sflag:$0x2] =	stream.indirect.gather [hbm4b:s5+s9], $0x40, s1, s9, $0xb8;
	[tilespmem:$0x19000] =	vst v63  }
0x22: {  	s1 =	sadd.s32 $0x2C0, s28  }
0x23: {  	[tilespmem:s20], [sflag:$0x2] =	stream.indirect.gather [hbm4b:s5+s11], $0x40, s1, s11, $0xb8;
	[tilespmem:$0x19000] =	vst v63  }
0x24: {  	_ =	swait.ge [sflag:s21], $0x1A00  }
0x25: {  	[sflag:s21] =	ssyncset.done $0x0  }
0x26: {  	[sflag:s21] =	ssyncadd.s32 $0xFFFFE600  }
0x27: {  	_ =	swait.ge [sflag:s21], $0x1800  }
0x28: {  	[sflag:s21] =	ssyncset.done $0x0  }
0x29: {  	[sflag:s21] =	ssyncadd.s32 $0xFFFFE800  }
0x2a: {  	_ =	swait.ge [sflag:s21], $0x1A00  }
0x2b: {  	[sflag:s21] =	ssyncset.done $0x0  }
0x2c: {  	[sflag:s21] =	ssyncadd.s32 $0xFFFFE600  }
0x2d: {  	_ =	swait.ge [sflag:s21], $0x1800  }
0x2e: {  	[sflag:s21] =	ssyncset.done $0x0  }
0x2f: {  	s31 =	simm.s32 $0xFFFFCE00;
	[sflag:s21] =	ssyncadd.s32 $0xFFFFE800  }
0x30: {  	v1 =	vld [tilespmem:s31+$0xC830]  }
0x31: {  	v5 =	vld [tilespmem:s31+$0x9600]  }
0x32: {  	v6 =	vld [tilespmem:s31+$0x9610]  }
0x33: {  	v4 =	vld [tilespmem:s31+$0x9620]  }
0x34: {  	v3 =	vld [tilespmem:s31+$0x9630]  }
0x35: {  	v0 =	vld [tilespmem:s31+$0xC800];
	v7 =	vmul.f32 $8.000000000e+00, v1  }
0x36: {  	v1 =	vld [tilespmem:s31+$0xC810];
	v5 =	vmul.f32 $8.000000000e+00, v5  }
0x37: {  	s30 =	simm.s32 $0xFFFFCE40;
	s1 =	simm.s32 $0xFFFF3A00;
	v2 =	vld [tilespmem:s31+$0xC820];
	v6 =	vmul.f32 $8.000000000e+00, v6;
	[tilespmem:s31+$0x19030] =	vst v7  }
.LBB2_3:
0x38: {  	p0 =	sne.s32 s1, $0xFFFFFF00;
	v7 =	vld [tilespmem:s30+$0xC830];
	[tilespmem:s31+$0x15E00] =	vst v5;
	v4 =	vmul.f32 $8.000000000e+00, v4  }
0x39: {  	v5 =	vld [tilespmem:s30+$0x9600];
	[tilespmem:s31+$0x15E10] =	vst v6;
	v3 =	vmul.f32 $8.000000000e+00, v3  }
0x3a: {  	v6 =	vld [tilespmem:s30+$0x9610];
	[tilespmem:s31+$0x15E20] =	vst v4;
	v0 =	vmul.f32 $8.000000000e+00, v0  }
.Ltmp0:
0x3b: {  	v4 =	vld [tilespmem:s30+$0x9620];
	[tilespmem:s31+$0x15E30] =	vst v3;
	v1 =	vmul.f32 $8.000000000e+00, v1;
	(pc) =	sbr.rel @p0 .LBB2_3-.Ltmp0, $4  }
0x3c: {  	v3 =	vld [tilespmem:s30+$0x9630];
	[tilespmem:s31+$0x19000] =	vst v0;
	v2 =	vmul.f32 $8.000000000e+00, v2  }
0x3d: {  	v0 =	vld [tilespmem:s30+$0xC800];
	v7 =	vmul.f32 $8.000000000e+00, v7;
	[tilespmem:s31+$0x19010] =	vst v1  }
0x3e: {  	v5 =	vmul.f32 $8.000000000e+00, v5;
	v1 =	vld [tilespmem:s30+$0xC810];
	[tilespmem:s31+$0x19020] =	vst v2;
	s31 =	smov.u32 s30  }
0x3f: {  	s30 =	sshra.s32 s1, $0x2;
	s1 =	sadd.s32 $0x100, s1;
	v6 =	vmul.f32 $8.000000000e+00, v6;
	v2 =	vld [tilespmem:s31+$0xC820];
	[tilespmem:s31+$0x19030] =	vst v7  }
0x40: {  	v7 =	vld [tilespmem:s30+$0xC830];
	[tilespmem:s31+$0x15E00] =	vst v5;
	v4 =	vmul.f32 $8.000000000e+00, v4  }
0x41: {  	v5 =	vld [tilespmem:s30+$0x9600];
	[tilespmem:s31+$0x15E10] =	vst v6;
	v3 =	vmul.f32 $8.000000000e+00, v3  }
0x42: {  	v6 =	vld [tilespmem:s30+$0x9610];
	[tilespmem:s31+$0x15E20] =	vst v4;
	v0 =	vmul.f32 $8.000000000e+00, v0  }
0x43: {  	v4 =	vld [tilespmem:s30+$0x9620];
	[tilespmem:s31+$0x15E30] =	vst v3;
	v1 =	vmul.f32 $8.000000000e+00, v1  }
0x44: {  	v3 =	vld [tilespmem:s30+$0x9630];
	[tilespmem:s31+$0x19000] =	vst v0;
	v2 =	vmul.f32 $8.000000000e+00, v2  }
0x45: {  	v0 =	vld [tilespmem:s30+$0xC800];
	[tilespmem:s31+$0x19010] =	vst v1;
	v7 =	vmul.f32 $8.000000000e+00, v7  }
0x46: {  	v1 =	vld [tilespmem:s30+$0xC810];
	[tilespmem:s31+$0x19020] =	vst v2;
	v2 =	vmul.f32 $8.000000000e+00, v5  }
0x47: {  	v5 =	vld [tilespmem:s30+$0xC820];
	v6 =	vmul.f32 $8.000000000e+00, v6;
	[tilespmem:s30+$0x19030] =	vst v7  }
0x48: {  	[tilespmem:s30+$0x15E00] =	vst v2;
	v2 =	vmul.f32 $8.000000000e+00, v4  }
0x49: {  	[tilespmem:s30+$0x15E10] =	vst v6;
	v3 =	vmul.f32 $8.000000000e+00, v3  }
0x4a: {  	[tilespmem:s30+$0x15E20] =	vst v2;
	v0 =	vmul.f32 $8.000000000e+00, v0  }
0x4b: {  	s1 =	sadd.s32 s3, s29;
	[tilespmem:s30+$0x15E30] =	vst v3;
	v1 =	vmul.f32 $8.000000000e+00, v1  }
0x4c: {  	s1 =	smul.u32 $0x640, s1;
	[tilespmem:s30+$0x19000] =	vst v0;
	v0 =	vmul.f32 $8.000000000e+00, v5  }
0x4d: {  	[tilespmem:s30+$0x19010] =	vst v1  }
0x4e: {  	s1 =	sadd.s32 s2, s1;
	[tilespmem:s30+$0x19020] =	vst v0  }
0x4f: {  	[hbm4b:s1+s4] =	stream.linear.scatter [tilespmem:s22], [sflag:$0x3], $0x6400, $0x38;
	[tilespmem:$0x19000] =	vst v63  }
0x50: {  	p0 =	seq.s32 s26, $0x1F;
	_ =	swait.ge [sflag:s8], $0x6400  }
0x51: {  	s29 =	simm.s32 @!p0 $0x68;
	[sflag:s8] =	ssyncset.done $0x0  }
0x52: {  	s30 =	simm.s32 @!p0 $0x6400;
	s1 =	sadd.s32 @!p0 $0x320, s28;
	[sflag:s8] =	ssyncadd.s32 $0xFFFF9C00  }
0x53: {  	[tilespmem:s30], [sflag:$0x1] =	stream.indirect.gather @!p0 [hbm4b:s5+s29], $0x40, s1, s29, $0xb8;
	[tilespmem:$0x19000] =	vst v63  }
0x54: {  	s31 =	simm.s32 @!p0 $0x7E00;
	s1 =	sadd.s32 @!p0 $0x388, s28;
	s30 =	simm.s32 @!p0 $0x60  }
0x55: {  	[tilespmem:s31], [sflag:$0x1] =	stream.indirect.gather @!p0 [hbm4b:s5+s30], $0x40, s1, s30, $0xb8;
	[tilespmem:$0x19000] =	vst v63  }
0x56: {  	s1 =	sadd.s32 @!p0 $0x3E8, s28;
	s31 =	simm.s32 @!p0 $0x9600  }
0x57: {  	[tilespmem:s31], [sflag:$0x1] =	stream.indirect.gather @!p0 [hbm4b:s5+s29], $0x40, s1, s29, $0xb8;
	[tilespmem:$0x19000] =	vst v63  }
0x58: {  	s1 =	sadd.s32 @!p0 $0x450, s28;
	s28 =	simm.s32 @!p0 $0xB000  }
0x59: {  	[tilespmem:s28], [sflag:$0x1] =	stream.indirect.gather @!p0 [hbm4b:s5+s30], $0x40, s1, s30, $0xb8;
	[tilespmem:$0x19000] =	vst v63  }
0x5a: {  	_ =	swait.ge [sflag:s23], $0x1A00  }
0x5b: {  	[sflag:s23] =	ssyncset.done $0x0  }
0x5c: {  	[sflag:s23] =	ssyncadd.s32 $0xFFFFE600  }
0x5d: {  	_ =	swait.ge [sflag:s23], $0x1800  }
0x5e: {  	[sflag:s23] =	ssyncset.done $0x0  }
0x5f: {  	[sflag:s23] =	ssyncadd.s32 $0xFFFFE800  }
0x60: {  	_ =	swait.ge [sflag:s23], $0x1A00  }
0x61: {  	[sflag:s23] =	ssyncset.done $0x0  }
0x62: {  	[sflag:s23] =	ssyncadd.s32 $0xFFFFE600  }
0x63: {  	_ =	swait.ge [sflag:s23], $0x1800  }
0x64: {  	[sflag:s23] =	ssyncset.done $0x0  }
0x65: {  	s29 =	simm.s32 $0x0;
	[sflag:s23] =	ssyncadd.s32 $0xFFFFE800  }
0x66: {  	v1 =	vld [tilespmem:s29+$0xFA30]  }
0x67: {  	v5 =	vld [tilespmem:s29+$0xC800]  }
0x68: {  	v6 =	vld [tilespmem:s29+$0xC810]  }
0x69: {  	v4 =	vld [tilespmem:s29+$0xC820]  }
0x6a: {  	v3 =	vld [tilespmem:s29+$0xC830]  }
0x6b: {  	v0 =	vld [tilespmem:s29+$0xFA00];
	v7 =	vmul.f32 $8.000000000e+00, v1  }
0x6c: {  	v1 =	vld [tilespmem:s29+$0xFA10];
	v5 =	vmul.f32 $8.000000000e+00, v5  }
0x6d: {  	s26 =	sadd.s32 $0x1, s26;
	s28 =	simm.s32 $0x40;
	s1 =	simm.s32 $0x200;
	v2 =	vld [tilespmem:s29+$0xFA20];
	v6 =	vmul.f32 $8.000000000e+00, v6;
	[tilespmem:s29+$0x15E30] =	vst v7  }
.LBB2_5:
0x6e: {  	p0 =	sne.s32 s1, $0xC700;
	v7 =	vld [tilespmem:s28+$0xFA30];
	[tilespmem:s29+$0x12C00] =	vst v5;
	v4 =	vmul.f32 $8.000000000e+00, v4  }
0x6f: {  	v5 =	vld [tilespmem:s28+$0xC800];
	[tilespmem:s29+$0x12C10] =	vst v6;
	v3 =	vmul.f32 $8.000000000e+00, v3  }
0x70: {  	v6 =	vld [tilespmem:s28+$0xC810];
	[tilespmem:s29+$0x12C20] =	vst v4;
	v0 =	vmul.f32 $8.000000000e+00, v0  }
.Ltmp1:
0x71: {  	v4 =	vld [tilespmem:s28+$0xC820];
	[tilespmem:s29+$0x12C30] =	vst v3;
	v1 =	vmul.f32 $8.000000000e+00, v1;
	(pc) =	sbr.rel @p0 .LBB2_5-.Ltmp1, $4  }
0x72: {  	v3 =	vld [tilespmem:s28+$0xC830];
	[tilespmem:s29+$0x15E00] =	vst v0;
	v2 =	vmul.f32 $8.000000000e+00, v2  }
0x73: {  	v0 =	vld [tilespmem:s28+$0xFA00];
	v7 =	vmul.f32 $8.000000000e+00, v7;
	[tilespmem:s29+$0x15E10] =	vst v1  }
0x74: {  	v5 =	vmul.f32 $8.000000000e+00, v5;
	v1 =	vld [tilespmem:s28+$0xFA10];
	[tilespmem:s29+$0x15E20] =	vst v2;
	s29 =	smov.u32 s28  }
0x75: {  	s28 =	sshra.s32 s1, $0x2;
	s1 =	sadd.s32 $0x100, s1;
	v6 =	vmul.f32 $8.000000000e+00, v6;
	v2 =	vld [tilespmem:s29+$0xFA20];
	[tilespmem:s29+$0x15E30] =	vst v7  }
0x76: {  	v7 =	vld [tilespmem:s28+$0xFA30];
	[tilespmem:s29+$0x12C00] =	vst v5;
	v4 =	vmul.f32 $8.000000000e+00, v4  }
0x77: {  	v5 =	vld [tilespmem:s28+$0xC800];
	[tilespmem:s29+$0x12C10] =	vst v6;
	v3 =	vmul.f32 $8.000000000e+00, v3  }
0x78: {  	v6 =	vld [tilespmem:s28+$0xC810];
	[tilespmem:s29+$0x12C20] =	vst v4;
	v0 =	vmul.f32 $8.000000000e+00, v0  }
0x79: {  	v4 =	vld [tilespmem:s28+$0xC820];
	[tilespmem:s29+$0x12C30] =	vst v3;
	v1 =	vmul.f32 $8.000000000e+00, v1  }
0x7a: {  	v3 =	vld [tilespmem:s28+$0xC830];
	[tilespmem:s29+$0x15E00] =	vst v0;
	v2 =	vmul.f32 $8.000000000e+00, v2  }
0x7b: {  	v0 =	vld [tilespmem:s28+$0xFA00];
	[tilespmem:s29+$0x15E10] =	vst v1;
	v7 =	vmul.f32 $8.000000000e+00, v7  }
0x7c: {  	v1 =	vld [tilespmem:s28+$0xFA10];
	[tilespmem:s29+$0x15E20] =	vst v2;
	v60 =	vmul.f32 $8.000000000e+00, v5  }
0x7d: {  	v61 =	vld [tilespmem:s28+$0xFA20];
	v6 =	vmul.f32 $8.000000000e+00, v6;
	[tilespmem:s28+$0x15E30] =	vst v7  }
0x7e: {  	[tilespmem:s28+$0x12C00] =	vst v60;
	v62 =	vmul.f32 $8.000000000e+00, v4  }
0x7f: {  	[tilespmem:s28+$0x12C10] =	vst v6;
	v3 =	vmul.f32 $8.000000000e+00, v3  }
0x80: {  	[tilespmem:s28+$0x12C20] =	vst v62;
	v0 =	vmul.f32 $8.000000000e+00, v0  }
0x81: {  	s1 =	sadd.s32 s3, s25;
	[tilespmem:s28+$0x12C30] =	vst v3;
	v1 =	vmul.f32 $8.000000000e+00, v1  }
0x82: {  	s1 =	smul.u32 $0x640, s1;
	[tilespmem:s28+$0x15E00] =	vst v0;
	v63 =	vmul.f32 $8.000000000e+00, v61  }
0x83: {  	p0 =	sne.s32 s26, $0x20;
	[tilespmem:s28+$0x15E10] =	vst v1  }
.Ltmp2:
0x84: {  	s1 =	sadd.s32 s2, s1;
	[tilespmem:s28+$0x15E20] =	vst v63;
	(pc) =	sbr.rel @p0 .LBB2_2-.Ltmp2, $4  }
0x85: {  	[hbm4b:s1+s4] =	stream.linear.scatter [tilespmem:s22], [sflag:$0x3], $0x6400, $0x38;
	[tilespmem:$0x19000] =	vst v63  }
0x86: {  	_ =	swait.ge [sflag:s8], $0x6400  }
0x87: {  	[sflag:s8] =	ssyncset.done $0x0  }
0x88: {  	[sflag:s8] =	ssyncadd.s32 $0xFFFF9C00  }
0x89: {  	s24 =	sadd.s32 $0x1, s24  }
0x8a: {  	p0 =	sne.s32 s24, s7  }
.Ltmp3:
0x8b: {  	_ = 	snop;
	(pc) =	sbr.rel @p0 .LBB2_1-.Ltmp3, $1  }
0x8c: {  	_ =	sdelay $0x3  }
0x8d: {  	_ =	sfence.sel $0x180000  }
0x8e: {  	[bflag:$0x0] =	sbarrier.arrive $0xFFFF  }
0x8f: {  	_ =	strace $0x90000047  }
0x90: {  	[bflag:$0x2] =	sbarrier.arrive $0xFFFF  }
0x91: {  	p0 =	sne.s32 s0, $0x0;
	s0 =	rddreg [dreg:$0x2]  }
0x92: {  	s0 =	sadd.s32 @!p0 $0x100000, s0  }
0x93: {  	[sflag:s0] =	ssyncadd.tile.s32 @!p0 $0x1;
	_ =	shalt  }
.Lfunc_end2:
_tile_overlayer_lowered:
.L_overlay_start_2:
0x94: {  	(tag) =	ssettag $0x2  }
0x95: {  	s0 =	rddreg [dreg:$0x0];
	s2 =	stileid.u32  }
0x96: {  	s1 =	rddreg [dreg:$0x1];
	p0 =	sne.s32 s2, $0x0  }
0x97: {  	s3 =	rddreg [dreg:$0x2];
	[bflag:$0x3] =	sbarrier.arrive $0xFFFF;
	s2 =	simm.s32 @!p0 $0x1C03  }
0x98: {  	[timem:s3], [sflag:s2] =	dma.local @!p0 [hbm:s0], s1  }
0x99: {  	s0 =	simm.s32 @!p0 $0x3  }
0x9a: {  	_ =	swait.ge @!p0 [sflag:s0], s1  }
0x9b: {  	s1 =	ssub.s32 @!p0 $0x0, s1;
	[sflag:s0] =	ssyncset.done @!p0 $0x0  }
0x9c: {  	[sflag:s0] =	ssyncadd.s32 @!p0 s1  }
0x9d: {  	[bflag:$0x3] =	sbarrier.arrive $0xFFFF  }
0x9e: {  	_ =	shalt  }

// kernel: sparse-core-data-format-call.cloned.1.call-start
scs
called_computation_lowered:
.L_overlay_start_0:
0x0: {  	s2 =	sld [smem:$0x3FD9]  }
0x1: {  	s3 =	sld [smem:$0x3FFE];
	_ =	sdelay $0x1  }
0x2: {  	s1 =	srdreg.scid  }
0x3: {  	s0 =	sand.u32 $0x1, s1  }
0x4: {  	s18 =	sshll.u32 s0, $0xA;
	s2 =	sadd.s32 s3, s2  }
0x5: {  	s2 =	sadd.s32 s2, s18  }
0x6: {  	[smem:$0x3FC6] =	sst s2  }
0x7: {  	_ = 	snop  }
0x8: {  	s2 =	sld [smem:$0x3FD0];
	(tm) =	ssettm $0x1  }
0x9: {  	s19 =	sld [smem:$0x3FFB];
	_ =	sdelay $0x3  }
0xa: {  	_ =	strace s19  }
0xb: {  	s3 =	sld [smem:$0x3FFC];
	_ =	sdelay $0x3  }
0xc: {  	_ =	strace s3  }
0xd: {  	s3 =	sld [smem:$0x3FFD];
	_ =	sdelay $0x3  }
0xe: {  	_ =	strace s3  }
0xf: {  	_ =	strace $0x8FFFFFFF  }
0x10: {  	s20 =	sld [smem:$0x3FDB];
	_ =	sdelay $0x1  }
0x11: {  	s4 =	simm.s32 $_scs_section_size  }
0x12: {  	s5 =	simm.s32 $_size__tile_overlayer_lowered;
	s6 =	simm.s32 $_tile_overlayer_lowered  }
0x13: {  	s23 =	simm.s32 $0x1BFF;
	s22 =	sshll.u32 s6, $0x1;
	s3 =	sadd.s32 s4, s20  }
0x14: {  	s7 =	simm.s32 $0x0;
	s21 =	sshll.u32 s5, $0x1;
	s5 =	sadd.s32 s22, s3  }
0x15: {  	[timem:s7], [sflag:s23] =	dma.local [hbm:s5], s21  }
0x16: {  	_ =	swait.ge [sflag:s23], s21  }
0x17: {  	s4 =	ssub.s32 $0x0, s21;
	[sflag:s23] =	ssyncset.done $0x0  }
0x18: {  	[sflag:s23] =	ssyncadd.s32 s4;
	_ =	sdelay $0x1  }
0x19: {  	s24 =	simm.s32 $0x1B8B  }
0x1a: {  	_ =	swait.ge [sflag:s24], $0x1  }
0x1b: {  	[sflag:s24] =	ssyncset.done $0x0  }
0x1c: {  	s26 =	simm.s32 $0x1B8E;
	s25 =	sld [smem:$0x3FFE];
	[sflag:s24] =	ssyncadd.s32 $0xFFFFFFFF  }
0x1d: {  	s27 =	simm.s32 $execute0_lowered;
	[smem:$0x3FD2] =	sst s26  }
0x1e: {  	s5 =	sshll.u32 s27, $0x1;
	_ =	strace $0x80000049;
	[dreg:$0x1] =	wrdreg $0xFFFFFFFF  }
0x1f: {  	s28 =	simm.s32 $_size_execute0_lowered;
	s3 =	sadd.s32 s3, s5;
	[dreg:$0x0] =	wrdreg $0x0  }
0x20: {  	s5 =	sshll.u32 s28, $0x1;
	[dreg:$0x2] =	wrdreg s3  }
0x21: {  	[dreg:$0x3] =	wrdreg s5  }
0x22: {  	[dreg:$0x4] =	wrdreg $0xC0  }
0x23: {  	_ =	task [dreg:s7], $0x5FFFF  }
0x24: {  	[dreg:$0x1] =	wrdreg $0xFFFFFFFF  }
0x25: {  	[dreg:$0x0] =	wrdreg $0x60  }
0x26: {  	[dreg:$0x2] =	wrdreg s25  }
0x27: {  	[dreg:$0x3] =	wrdreg s2  }
0x28: {  	[dreg:$0x4] =	wrdreg $0x9  }
0x29: {  	_ =	task.clear_ibuf [dreg:s7], $0x5FFFF;
	_ =	strace $0x90000049  }
0x2a: {  	s29 =	simm.s32 $0x9;
	_ =	strace $0x8000004B  }
0x2b: {  	_ =	swait.ge [sflag:s29], $0x1  }
0x2c: {  	[sflag:s29] =	ssyncadd.s32 $0xFFFFFFFF  }
0x2d: {  	_ =	strace $0x9000004B  }
0x2e: {  	_ =	sfence  }
0x2f: {  	s30 =	sld [smem:$0x0];
	_ =	sdelay $0x2  }
0x30: {  	s31 =	sshll.u32 s1, $0xD;
	s1 =	sshrl.u32 s1, $0x2  }
0x31: {  	s3 =	sand.u32 $0x4000, s31;
	s1 =	sadd.s32 s1, s30  }
0x32: {  	s0 =	sor.u32 s3, s0;
	s1 =	sshll.u32 s1, $0x11  }
0x33: {  	s0 =	sor.u32 s1, s0  }
0x34: {  	s0 =	sadd.s32 $0x8F2B, s0  }
0x35: {  	[sflag:s0] =	ssyncadd.remote.s32 $0x1  }
0x36: {  	_ =	sfence.sel $0xFFFF  }
0x37: {  	[dreg:$0x0] =	wrdreg $0xFFFFFFFF;
	(pc) =	sbr.abs _section_cstart, $3  }
0x38: {  	[dreg:$0x1] =	wrdreg $0xFFFFFFFF  }
0x39: {  	_ =	task.clear_ibuf [dreg:s7], $0x2FFFF;
	_ =	strace $0x9FFFFFFF  }
0x3a: {  	(tm) =	ssettm $0x7FFFFFFF  }
0x3b: {  	_ =	shalt  }
tec
execute0_lowered:
.L_overlay_start_1:
0x0: {  	(tag) =	ssettag $0x1  }
0x1: {  	s0 =	srdreg.scid  }
0x2: {  	s1 =	sshll.u32 s0, $0x4  }
0x3: {  	s0 =	stileid.u32;
	s1 =	sand.u32 $0x10, s1  }
0x4: {  	s1 =	sor.u32 s0, s1  }
0x5: {  	s6 =	rddreg [dreg:$0x0];
	s4 =	simm.s32 $0x1;
	s2 =	sshll.u32 s1, $0x7  }
0x6: {  	s7 =	simm.s32 $0x2;
	s12 =	simm.s32 $0x0;
	s1 =	ssub.s32 $0x1000, s2  }
0x7: {  	s8 =	simm.s32 $0x8000;
	s13 =	simm.s32 $0x0;
	s3 =	sand.u32 $0xF80, s1  }
0x8: {  	s9 =	simm.s32 $0x0;
	s5 =	sshrl.u32 s1, $0xC;
	p0 =	sne.s32 s3, $0x0  }
.Ltmp0:
0x9: {  	s1 =	rddreg [dreg:$0x2];
	s4 =	simm.s32 @!p0 $0x0;
	(pc) =	sbr.rel .LBB1_1-.Ltmp0, $4  }
0xa: {  	s11 =	simm.s32 $0x0;
	s3 =	rddreg [dreg:$0x1];
	s5 =	sadd.s32 s4, s5  }
0xb: {  	_ =	strace $0x8000004A;
	s4 =	simm.s32 $0x1;
	s5 =	smul.u32 $0xC8, s5  }
0xc: {  	s6 =	sadd.s32 $0xA00, s6;
	s10 =	smov.u32 s2;
	[sflag:s4] =	ssyncpa.u1 $0x0  }
0xd: {  	p0 =	por $0x0, $0x0;
	[sflag:s7] =	ssyncpa.u1 $0x0;
	s7 =	sor.u32 $0x1, s5  }
.LBB1_4:
0xe: {  	s16 =	sshll.u32 s13, $0x3;
	s17 =	sand.u32 $0x78, s13  }
0xf: {  	s30 =	sand.u32 $0x7E00, s13;
	s12 =	sshll.u32 s12, $0xF;
	s16 =	sand.u32 $0xC00, s16  }
0x10: {  	[tilespmem:s15+$0x810 ss:$0x81] =	vst.msk $0xffff, v2;
	s31 =	sand.u32 $0x7, s13;
	s16 =	sor.u32 s17, s16;
	s17 =	sadd.s32 s3, s30  }
0x11: {  	[tilespmem:s15+$0x1020 ss:$0x81] =	vst.msk $0xffff, v0;
	s13 =	sshll.u32 s31, $0x12;
	s12 =	sadd.s32 s12, s17;
	s16 =	sshrl.u32 s16, $0x3  }
0x12: {  	[tilespmem:s15+$0x0 ss:$0x81] =	vst.msk $0xffff, v1;
	s13 =	sor.u32 $0x400, s13;
	s12 =	sadd.s32 s16, s12  }
0x13: {  	[hbm4b:s12+s13] =	stream.strided.scatter [tilespmem:s14], [sflag:$0x2], $0x2000, s8, s13, $0x20;
	[tilespmem:$0x8080] =	vst v63  }
.LBB1_5:
0x14: {  	s14 =	sadd.s32 $0x1, s9  }
0x15: {  	s12 =	sadd.s32 $0x1000, s10;
	s16 =	smov.u32 s10;
	p2 =	sgt.s32 s14, $0xC7  }
0x16: {  	s16 =	smov.u32 @p2 s12  }
0x17: {  	s14 =	simm.s32 @p2 $0x0;
	p2 =	sgt.s32 s16, $0xFFF  }
0x18: {  	s16 =	smov.u32 @p2 s2;
	p2 =	sne.s32 s11, s7  }
.Ltmp1:
0x19: {  	p1 =	slt.u32 s11, $0x2;
	(pc) =	sbr.rel @!p2 .LBB1_6-.Ltmp1, $4  }
0x1a: {  	s15 =	simm.s32 @!p1 $0x2  }
0x1b: {  	s13 =	smov.u32 s10;
	p0 =	por !p0, !p0;
	_ =	swait.ge @!p1 [sflag:s15], $0x2000  }
0x1c: {  	s12 =	smov.u32 s9;
	[sflag:s15] =	ssyncset.done @!p1 $0x0;
	s9 =	smov.u32 s14  }
0x1d: {  	s11 =	sadd.s32 $0x1, s11;
	[sflag:s15] =	ssyncadd.s32 @!p1 $0xFFFFE000;
	s10 =	smov.u32 s16  }
.LBB1_1:
0x1e: {  	p1 =	sge.u32 s11, s5  }
0x1f: {  	s14 =	sand.u32 @!p1 $0x1FFFFFF, s9  }
0x20: {  	s15 =	smulhi.u32 @!p1 $0x147AE15, s14;
	_ =	sdelay $0x1  }
0x21: {  	s15 =	smul.u32 @!p1 $0xC8, s15  }
0x22: {  	s16 =	sxor.u32 @!p1 $0xFFFFFFFF, s11;
	s17 =	smul.u32 @!p1 $0xC80, s10  }
0x23: {  	s31 =	sadd.s32 $0xFFFFFFFF, s11;
	s16 =	sshll.u32 @!p1 s16, $0xD;
	s14 =	ssub.s32 @!p1 s14, s15  }
0x24: {  	s15 =	sand.u32 @!p1 $0x2000, s16;
	s16 =	sadd.s32 @!p1 s6, s17;
	s14 =	sshll.u32 @!p1 s14, $0x4  }
0x25: {  	s17 =	simm.s32 @!p1 $0x6400;
	s14 =	sadd.s32 @!p1 s14, s16;
	s16 =	simm.s32 @!p1 $0x40  }
0x26: {  	[tilespmem:s15], [sflag:$0x1] =	stream.strided.gather @!p1 [hbm4b:s14+s16], $0x2000, s17, s16, $0x38;
	[tilespmem:$0x8080] =	vst v63  }
0x27: {  	p1 =	sge.u32 s31, s5  }
.Ltmp2:
0x28: {  	_ = 	snop;
	(pc) =	sbr.rel @p1 .LBB1_5-.Ltmp2, $1  }
0x29: {  	_ =	sdelay $0x3  }
0x2a: {  	s14 =	simm.s32 $0x1  }
0x2b: {  	_ =	swait.ge [sflag:s4], $0x2000;
	s14 =	simm.s32 @!p0 $0x0  }
0x2c: {  	[sflag:s4] =	ssyncset.done $0x0;
	s15 =	sshll.u32 s14, $0xD  }
0x2d: {  	[sflag:s4] =	ssyncadd.s32 $0xFFFFE000;
	s18 =	sor.u32 $0x20, s15  }
0x2e: {  	s14 =	smul.u32 $0x8100, s14;
	v3 =	vld [tilespmem:s18+$0x10]  }
0x2f: {  	s30 =	sand.u32 $0x1, s11;
	v2 =	vld [tilespmem:s18+$0xFFFFFFF0]  }
0x30: {  	s15 =	smul.u32 $0x8100, s30;
	s14 =	sshrl.u32 s14, $0x2;
	v0 =	vld [tilespmem:s18+$0x0]  }
0x31: {  	v1 =	vld [tilespmem:s18+$0xFFFFFFE0];
	s16 =	sor.u32 $0x4000, s14  }
0x32: {  	s31 =	sshrl.u32 s15, $0x2;
	s15 =	sadd.s32 $0x0, s16  }
0x33: {  	s17 =	simm.s32 $0x4;
	s18 =	sadd.s32 $0x40, s18;
	s14 =	sor.u32 $0x4000, s31;
	[tilespmem:s15+$0x1830 ss:$0x81] =	vst.msk $0xffff, v3  }
.LBB1_3:
0x34: {  	v3 =	vld [tilespmem:s18+$0x10];
	p1 =	sne.s32 s17, $0x1FC;
	[tilespmem:s15+$0x810 ss:$0x81] =	vst.msk $0xffff, v2;
	s19 =	smov.u32 s17;
	s17 =	sadd.s32 $0x4, s17  }
.Ltmp3:
0x35: {  	v2 =	vld [tilespmem:s18+$0xFFFFFFF0];
	[tilespmem:s15+$0x1020 ss:$0x81] =	vst.msk $0xffff, v0;
	(pc) =	sbr.rel @p1 .LBB1_3-.Ltmp3, $4  }
0x36: {  	v0 =	vld [tilespmem:s18+$0x0];
	[tilespmem:s15+$0x0 ss:$0x81] =	vst.msk $0xffff, v1  }
0x37: {  	s15 =	sshra.s32 s19, $0x2;
	v1 =	vld [tilespmem:s18+$0xFFFFFFE0]  }
0x38: {  	s15 =	sadd.s32 s15, s16  }
0x39: {  	s18 =	sadd.s32 $0x40, s18;
	[tilespmem:s15+$0x1830 ss:$0x81] =	vst.msk $0xffff, v3  }
.Ltmp4:
0x3a: {  	_ = 	snop;
	(pc) =	sbr.rel .LBB1_4-.Ltmp4, $1  }
0x3b: {  	_ =	sdelay $0x3  }
.LBB1_6:
0x3c: {  	_ =	sfence.sel $0x180000  }
0x3d: {  	s2 =	simm.s32 $0x1;
	[bflag:$0x0] =	sbarrier.arrive $0xFFFF  }
0x3e: {  	s31 =	simm.s32 $0x2;
	[sflag:s2] =	ssyncpa.u1 $0x1  }
0x3f: {  	[sflag:s31] =	ssyncpa.u1 $0x1  }
0x40: {  	p0 =	sne.s32 s0, $0x0;
	_ =	strace $0x9000004A  }
0x41: {  	s0 =	sadd.s32 @!p0 $0x100000, s1;
	[bflag:$0x2] =	sbarrier.arrive $0xFFFF  }
0x42: {  	[sflag:s0] =	ssyncadd.tile.s32 @!p0 $0x1;
	_ =	shalt  }
.Lfunc_end1:
_tile_overlayer_lowered:
.L_overlay_start_2:
0x43: {  	(tag) =	ssettag $0x2  }
0x44: {  	s0 =	rddreg [dreg:$0x0];
	s2 =	stileid.u32  }
0x45: {  	s1 =	rddreg [dreg:$0x1];
	p0 =	sne.s32 s2, $0x0  }
0x46: {  	s3 =	rddreg [dreg:$0x2];
	[bflag:$0x3] =	sbarrier.arrive $0xFFFF;
	s2 =	simm.s32 @!p0 $0x1C01  }
0x47: {  	[timem:s3], [sflag:s2] =	dma.local @!p0 [hbm:s0], s1  }
0x48: {  	s0 =	simm.s32 @!p0 $0x1  }
0x49: {  	_ =	swait.ge @!p0 [sflag:s0], s1  }
0x4a: {  	s1 =	ssub.s32 @!p0 $0x0, s1;
	[sflag:s0] =	ssyncset.done @!p0 $0x0  }
0x4b: {  	[sflag:s0] =	ssyncadd.s32 @!p0 s1  }
0x4c: {  	[bflag:$0x3] =	sbarrier.arrive $0xFFFF  }
0x4d: {  	_ =	shalt  }

</sc_bundles>
